<compile_context>
chip_gen: v7x
topology: tpu7x:2x2x1
jax: 0.10.2.dev20260603
libtpu: 0.0.44.dev20260713+nightly
codegen_flags: <defaults>
</compile_context>

<pallas_src>
import jax
import jax.numpy as jnp
from jax.experimental import pallas as pl
from jax.experimental.pallas import tpu as pltpu

_SCALE = 80.0
_R2 = 40.0 * 40.0
_BIG = 1e10
_TN = 512
_MW = 512


def _chamfer_kernel(aac_ref, aar_ref, bb_ref, pr_ref, g2_ref, out_ref,
                    cminU_s, cminM_s, accM_s, sums_s):
    N = aac_ref.shape[1]
    M = bb_ref.shape[2]
    j = pl.program_id(1)
    nj = pl.num_programs(1)
    row0 = j * _TN

    bb = bb_ref[0]

    @pl.when(j == 0)
    def _init():
        cminU_s[:, :] = jnp.full((1, M), _BIG, jnp.float32)
        cminM_s[:, :] = jnp.full((1, M), _BIG, jnp.float32)
        sums_s[0, 0] = 0.0
        sums_s[1, 0] = 0.0
        aar = aar_ref[0]
        sums_s[2, 0] = jnp.sum((aar < _R2).astype(jnp.float32))
        sums_s[3, 0] = jnp.sum((bb < _R2).astype(jnp.float32))

    kp = sums_s[2, 0]
    kg = sums_s[3, 0]
    aa_t = aac_ref[0, pl.ds(row0, _TN), :]
    p_r = pr_ref[0, pl.ds(row0, _TN), :]

    accM_s[:, :] = jnp.full((_TN, 128), _BIG, jnp.float32)

    tile_all_valid = jnp.float32(row0) + _TN <= kp
    tile_boundary = (jnp.float32(row0) < kp) & (kp < jnp.float32(row0) + _TN)
    ridx = (jax.lax.broadcasted_iota(jnp.int32, (_TN, 1), 0) + row0
            ).astype(jnp.float32)
    pen_r = jnp.where(ridx < kp, 0.0, _BIG)

    def fold128(x):
        m = x[:, 0:128]
        for s in range(1, _MW // 128):
            m = jnp.minimum(m, x[:, s * 128:(s + 1) * 128])
        return m

    def chunk(c, accU):
        c0 = c * _MW
        ab2 = jax.lax.dot_general(
            p_r, g2_ref[0, :, pl.ds(c0, _MW)], (((1,), (0,)), ((), ())),
            preferred_element_type=jnp.float32)
        bb_c = bb_ref[0, :, pl.ds(c0, _MW)]

        ec = bb_c + ab2
        m128 = fold128(ec)
        accU = jnp.minimum(accU, m128)

        @pl.when(jnp.float32(c0) + _MW <= kg)
        def _valid_chunk():
            accM_s[:, :] = jnp.minimum(accM_s[:, :], m128)

        @pl.when((jnp.float32(c0) < kg) & (kg < jnp.float32(c0) + _MW))
        def _boundary_chunk():
            lane = (jax.lax.broadcasted_iota(jnp.int32, (1, _MW), 1) + c0
                    ).astype(jnp.float32)
            ecp = ec + jnp.where(lane < kg, 0.0, _BIG)
            accM_s[:, :] = jnp.minimum(accM_s[:, :], fold128(ecp))

        fc = aa_t + ab2
        colmin = jnp.min(fc, axis=0, keepdims=True)
        cminU_s[0:1, pl.ds(c0, _MW)] = jnp.minimum(
            cminU_s[0:1, pl.ds(c0, _MW)], colmin)

        @pl.when(tile_all_valid)
        def _valid_tile():
            cminM_s[0:1, pl.ds(c0, _MW)] = jnp.minimum(
                cminM_s[0:1, pl.ds(c0, _MW)], colmin)

        @pl.when(tile_boundary)
        def _boundary_tile():
            colmin_p = jnp.min(fc + pen_r, axis=0, keepdims=True)
            cminM_s[0:1, pl.ds(c0, _MW)] = jnp.minimum(
                cminM_s[0:1, pl.ds(c0, _MW)], colmin_p)

        return accU

    accU = jax.lax.fori_loop(0, M // _MW, chunk,
                             jnp.full((_TN, 128), _BIG, jnp.float32))

    rminU = jnp.maximum(aa_t + jnp.min(accU, axis=1, keepdims=True), 0.0)
    rminM = jnp.maximum(
        aa_t + jnp.min(accM_s[:, :], axis=1, keepdims=True), 0.0)
    sums_s[0, 0] = sums_s[0, 0] + jnp.sum(rminU)
    sums_s[1, 0] = sums_s[1, 0] + jnp.sum(jnp.where(ridx < kp, rminM, 0.0))

    @pl.when(j == nj - 1)
    def _finalize():
        cidx = jax.lax.broadcasted_iota(jnp.int32, (1, M), 1
                                        ).astype(jnp.float32)
        mg = cidx < kg
        cminU = jnp.maximum(bb + cminU_s[:, :], 0.0)
        cminM = jnp.maximum(bb + cminM_s[:, :], 0.0)
        sum_c_u = jnp.sum(cminU)
        sum_c_m = jnp.sum(jnp.where(mg, cminM, 0.0))
        non_filtered = sums_s[0, 0] / N + sum_c_u / M
        filtered = (sums_s[1, 0] / jnp.maximum(sums_s[2, 0], 1.0)
                    + sum_c_m / jnp.maximum(sums_s[3, 0], 1.0))
        loss = 0.7 * filtered + 0.3 * non_filtered
        out_ref[:, :, :] = jnp.broadcast_to(loss, (1, 1, 1))


def kernel(image_pred, image_gt):
    B, N, _ = image_pred.shape
    M = image_gt.shape[1]

    p = image_pred * _SCALE
    g = image_gt * _SCALE
    aa = jnp.sum(p * p, axis=-1)
    bb = jnp.sum(g * g, axis=-1)

    perm_p = jnp.argsort((aa >= _R2).astype(jnp.int32), axis=1)
    perm_g = jnp.argsort((bb >= _R2).astype(jnp.int32), axis=1)
    p_s = jnp.take_along_axis(p, perm_p[:, :, None], axis=1)
    g_s = jnp.take_along_axis(g, perm_g[:, :, None], axis=1)
    aa_s = jnp.take_along_axis(aa, perm_p, axis=1)
    bb_s = jnp.take_along_axis(bb, perm_g, axis=1)

    p_r = jnp.pad(p_s.astype(jnp.bfloat16), ((0, 0), (0, 0), (0, 5)))
    g2 = (-2.0 * g_s.astype(jnp.bfloat16).astype(jnp.float32)
          ).astype(jnp.bfloat16)
    g2t = jnp.pad(jnp.swapaxes(g2, 1, 2), ((0, 0), (0, 5), (0, 0)))

    aac = aa_s[:, :, None]
    aar = aa_s[:, None, :]
    bbr = bb_s[:, None, :]

    per_batch = pl.pallas_call(
        _chamfer_kernel,
        grid=(B, N // _TN),
        in_specs=[
            pl.BlockSpec((1, N, 1), lambda b, j: (b, 0, 0)),
            pl.BlockSpec((1, 1, N), lambda b, j: (b, 0, 0)),
            pl.BlockSpec((1, 1, M), lambda b, j: (b, 0, 0)),
            pl.BlockSpec((1, N, 8), lambda b, j: (b, 0, 0)),
            pl.BlockSpec((1, 8, M), lambda b, j: (b, 0, 0)),
        ],
        out_specs=pl.BlockSpec((1, 1, 1), lambda b, j: (b, 0, 0)),
        out_shape=jax.ShapeDtypeStruct((B, 1, 1), jnp.float32),
        scratch_shapes=[
            pltpu.VMEM((1, M), jnp.float32),
            pltpu.VMEM((1, M), jnp.float32),
            pltpu.VMEM((_TN, 128), jnp.float32),
            pltpu.SMEM((8, 1), jnp.float32),
        ],
        compiler_params=pltpu.CompilerParams(
            dimension_semantics=("arbitrary", "arbitrary")),
    )(aac, aar, bbr, p_r, g2t)
    return jnp.mean(per_batch)

# --- scband reference (transcript-rebuilt; emitter-appended) ---
"""Pipeline reference for scband-chamfer-loss-84043920048708 (READ-ONLY COPY).

The authoritative reference and input builder live on the scoring server;
editing this copy changes nothing except your own understanding.
"""

import jax, jax.numpy as jnp
import numpy as np

KITTI_MAX_DISTANCE = 80.0
FILTER_RANGE = 40.0

def setup_inputs(seed: int = 0) -> dict:
    key = jax.random.key(seed)
    k1, k2 = jax.random.split(key)
    image_pred = jax.random.uniform(k1, (2, 4096, 3), dtype=jnp.float32)
    image_gt = jax.random.uniform(k2, (2, 4096, 3), dtype=jnp.float32)
    return {"image_pred": image_pred, "image_gt": image_gt}

def _pairwise_sqdist(a, b):
    # a: [B, N, 3], b: [B, M, 3] -> [B, N, M]
    aa = jnp.sum(a * a, axis=-1)[:, :, None]
    bb = jnp.sum(b * b, axis=-1)[:, None, :]
    ab = jnp.einsum('bnd,bmd->bnm', a, b)
    return jnp.maximum(aa + bb - 2.0 * ab, 0.0)

def _chamfer(p, g):
    # kaolin-style chamfer: mean of squared NN distances both directions, per batch
    d2 = _pairwise_sqdist(p, g)
    return jnp.mean(jnp.min(d2, axis=2), axis=1) + jnp.mean(jnp.min(d2, axis=1), axis=1)

def _masked_chamfer(p, g, mp, mg):
    d2 = _pairwise_sqdist(p, g)
    BIG = 1e10
    valid = mp[:, :, None] & mg[:, None, :]
    d2m = jnp.where(valid, d2, BIG)
    min_pg = jnp.min(d2m, axis=2)  # [B, N]
    min_gp = jnp.min(d2m, axis=1)  # [B, M]
    t1 = jnp.sum(jnp.where(mp, min_pg, 0.0), axis=1) / jnp.maximum(jnp.sum(mp, axis=1), 1)
    t2 = jnp.sum(jnp.where(mg, min_gp, 0.0), axis=1) / jnp.maximum(jnp.sum(mg, axis=1), 1)
    return t1 + t2

def reference(image_pred, image_gt):
    # range values in [0,1] scaled back to metric coordinates
    p = image_pred * KITTI_MAX_DISTANCE
    g = image_gt * KITTI_MAX_DISTANCE
    # emulate label-based pointcloud_filter with a range filter (labels unavailable)
    mp = jnp.linalg.norm(p, axis=-1) < FILTER_RANGE
    mg = jnp.linalg.norm(g, axis=-1) < FILTER_RANGE
    chamfer_filtered = _masked_chamfer(p, g, mp, mg)
    chamfer_non_filtered = _chamfer(p, g)
    return jnp.mean(chamfer_filtered) * 0.7 + jnp.mean(chamfer_non_filtered) * 0.3

if __name__ == "__main__":
    import jax
    _d = setup_inputs()
    print(jax.jit(kernel)(*tuple(_d.values())))

</pallas_src>

<mosaic_0001>
module attributes {stable_mosaic.version = 14 : i64} {
  func.func @_chamfer_kernel(%arg0: i32, %arg1: i32, %arg2: memref<1x4096x1xf32, #tpu.memory_space<vmem>>, %arg3: memref<1x1x4096xf32, #tpu.memory_space<vmem>>, %arg4: memref<1x1x4096xf32, #tpu.memory_space<vmem>>, %arg5: memref<1x4096x8xbf16, #tpu.memory_space<vmem>>, %arg6: memref<1x8x4096xbf16, #tpu.memory_space<vmem>>, %arg7: memref<1x1x1xf32, #tpu.memory_space<vmem>>, %arg8: memref<1x4096xf32, #tpu.memory_space<vmem>>, %arg9: memref<1x4096xf32, #tpu.memory_space<vmem>>, %arg10: memref<512x128xf32, #tpu.memory_space<vmem>>, %arg11: memref<8x1xf32, #tpu.memory_space<smem>>) attributes {dimension_semantics = [#tpu.dimension_semantics<arbitrary>, #tpu.dimension_semantics<arbitrary>], iteration_bounds = array<i64: 2, 8>, scalar_prefetch = 0 : i64, scratch_operands = 4 : i64, tpu.core_type = #tpu.core_type<tc>, window_params = [{transform_indices = @transform_0, window_bounds = array<i64: 1, 4096, 1>}, {transform_indices = @transform_1, window_bounds = array<i64: 1, 1, 4096>}, {transform_indices = @transform_2, window_bounds = array<i64: 1, 1, 4096>}, {transform_indices = @transform_3, window_bounds = array<i64: 1, 4096, 8>}, {transform_indices = @transform_4, window_bounds = array<i64: 1, 8, 4096>}, {transform_indices = @transform_5, window_bounds = array<i64: 1, 1, 1>}]} {
    %mul3A = arith.constant 512 : i32
    %mul3A_0 = arith.muli %arg1, %mul3A : i32
    %get3A = arith.constant 0 : index
    %get3A_1 = arith.constant 0 : index
    %get3A_2 = arith.constant 0 : index
    %get3A_3 = vector.load %arg4[%get3A, %get3A_1, %get3A_2] : memref<1x1x4096xf32, #tpu.memory_space<vmem>>, vector<1x1x4096xf32>
    %get3A_4 = vector.shape_cast %get3A_3 : vector<1x1x4096xf32> to vector<1x4096xf32>
    %eq3A = arith.constant 0 : i32
    %eq3A_5 = arith.cmpi eq, %arg1, %eq3A : i32
    %convert_element_type3A = arith.extui %eq3A_5 : i1 to i32
    %cond3A = arith.constant 0 : i32
    %cond3A_6 = arith.cmpi ne, %convert_element_type3A, %cond3A : i32
    scf.if %cond3A_6 {
      %broadcast_in_dim3A_96 = arith.constant 1.000000e+10 : f32
      %broadcast_in_dim3A_97 = vector.broadcast %broadcast_in_dim3A_96 : f32 to vector<1x4096xf32>
      %swap3A_98 = arith.constant 0 : index
      %swap3A_99 = arith.constant 0 : index
      %swap3A_100 = vector.load %arg8[%swap3A_98, %swap3A_99] : memref<1x4096xf32, #tpu.memory_space<vmem>>, vector<1x4096xf32>
      tpu.vector_store %arg8[%swap3A_98, %swap3A_99], %broadcast_in_dim3A_97 {strides = array<i32>} : memref<1x4096xf32, #tpu.memory_space<vmem>>, vector<1x4096xf32>,
      %broadcast_in_dim3A_101 = arith.constant 1.000000e+10 : f32
      %broadcast_in_dim3A_102 = vector.broadcast %broadcast_in_dim3A_101 : f32 to vector<1x4096xf32>
      %swap3A_103 = arith.constant 0 : index
      %swap3A_104 = arith.constant 0 : index
      %swap3A_105 = vector.load %arg9[%swap3A_103, %swap3A_104] : memref<1x4096xf32, #tpu.memory_space<vmem>>, vector<1x4096xf32>
      tpu.vector_store %arg9[%swap3A_103, %swap3A_104], %broadcast_in_dim3A_102 {strides = array<i32>} : memref<1x4096xf32, #tpu.memory_space<vmem>>, vector<1x4096xf32>,
      %swap3A_106 = arith.constant 0.000000e+00 : f32
      %swap3A_107 = arith.constant 0 : index
      %swap3A_108 = arith.constant 0 : index
      %swap3A_109 = memref.load %arg11[%swap3A_107, %swap3A_108] : memref<8x1xf32, #tpu.memory_space<smem>>
      memref.store %swap3A_106, %arg11[%swap3A_107, %swap3A_108] : memref<8x1xf32, #tpu.memory_space<smem>>
      %swap3A_110 = arith.constant 0.000000e+00 : f32
      %swap3A_111 = arith.constant 1 : index
      %swap3A_112 = arith.constant 0 : index
      %swap3A_113 = memref.load %arg11[%swap3A_111, %swap3A_112] : memref<8x1xf32, #tpu.memory_space<smem>>
      memref.store %swap3A_110, %arg11[%swap3A_111, %swap3A_112] : memref<8x1xf32, #tpu.memory_space<smem>>
      %get3A_114 = arith.constant 0 : index
      %get3A_115 = arith.constant 0 : index
      %get3A_116 = arith.constant 0 : index
      %get3A_117 = vector.load %arg3[%get3A_114, %get3A_115, %get3A_116] : memref<1x1x4096xf32, #tpu.memory_space<vmem>>, vector<1x1x4096xf32>
      %get3A_118 = vector.shape_cast %get3A_117 : vector<1x1x4096xf32> to vector<1x4096xf32>
      %lt3A_119 = arith.constant 1.600000e+03 : f32
      %lt3A_120 = vector.broadcast %lt3A_119 : f32 to vector<1x4096xf32>
      %lt3A_121 = arith.cmpf olt, %get3A_118, %lt3A_120 : vector<1x4096xf32>
      %convert_element_type3A_122 = arith.extui %lt3A_121 : vector<1x4096xi1> to vector<1x4096xi32>
      %convert_element_type3A_123 = arith.sitofp %convert_element_type3A_122 : vector<1x4096xi32> to vector<1x4096xf32>
      %reduce_sum3A_124 = vector.shape_cast %convert_element_type3A_123 : vector<1x4096xf32> to vector<1x1x4096xf32>
      %reduce_sum3A_125 = arith.constant dense<0.000000e+00> : vector<1xf32>
      %reduce_sum3A_126 = vector.multi_reduction <add>, %reduce_sum3A_124, %reduce_sum3A_125 [1, 2] : vector<1x1x4096xf32> to vector<1xf32>
      %reduce_sum3A_127 = vector.shape_cast %reduce_sum3A_126 : vector<1xf32> to vector<1x1x1xf32>
      %reduce_sum3A_128 = vector.extract %reduce_sum3A_127[0, 0, 0] : f32 from vector<1x1x1xf32>
      %swap3A_129 = arith.constant 2 : index
      %swap3A_130 = arith.constant 0 : index
      %swap3A_131 = memref.load %arg11[%swap3A_129, %swap3A_130] : memref<8x1xf32, #tpu.memory_space<smem>>
      memref.store %reduce_sum3A_128, %arg11[%swap3A_129, %swap3A_130] : memref<8x1xf32, #tpu.memory_space<smem>>
      %lt3A_132 = arith.constant 1.600000e+03 : f32
      %lt3A_133 = vector.broadcast %lt3A_132 : f32 to vector<1x4096xf32>
      %lt3A_134 = arith.cmpf olt, %get3A_4, %lt3A_133 : vector<1x4096xf32>
      %convert_element_type3A_135 = arith.extui %lt3A_134 : vector<1x4096xi1> to vector<1x4096xi32>
      %convert_element_type3A_136 = arith.sitofp %convert_element_type3A_135 : vector<1x4096xi32> to vector<1x4096xf32>
      %reduce_sum3A_137 = vector.shape_cast %convert_element_type3A_136 : vector<1x4096xf32> to vector<1x1x4096xf32>
      %reduce_sum3A_138 = arith.constant dense<0.000000e+00> : vector<1xf32>
      %reduce_sum3A_139 = vector.multi_reduction <add>, %reduce_sum3A_137, %reduce_sum3A_138 [1, 2] : vector<1x1x4096xf32> to vector<1xf32>
      %reduce_sum3A_140 = vector.shape_cast %reduce_sum3A_139 : vector<1xf32> to vector<1x1x1xf32>
      %reduce_sum3A_141 = vector.extract %reduce_sum3A_140[0, 0, 0] : f32 from vector<1x1x1xf32>
      %swap3A_142 = arith.constant 3 : index
      %swap3A_143 = arith.constant 0 : index
      %swap3A_144 = memref.load %arg11[%swap3A_142, %swap3A_143] : memref<8x1xf32, #tpu.memory_space<smem>>
      memref.store %reduce_sum3A_141, %arg11[%swap3A_142, %swap3A_143] : memref<8x1xf32, #tpu.memory_space<smem>>
    } else {
    }
    %get3A_7 = arith.constant 2 : index
    %get3A_8 = arith.constant 0 : index
    %get3A_9 = memref.load %arg11[%get3A_7, %get3A_8] : memref<8x1xf32, #tpu.memory_space<smem>>
    %get3A_10 = arith.constant 3 : index
    %get3A_11 = arith.constant 0 : index
    %get3A_12 = memref.load %arg11[%get3A_10, %get3A_11] : memref<8x1xf32, #tpu.memory_space<smem>>
    %get3A_13 = arith.constant 0 : index
    %get3A_14 = arith.index_cast %mul3A_0 : i32 to index
    %get3A_15 = arith.constant 0 : index
    %get3A_16 = vector.load %arg2[%get3A_13, %get3A_14, %get3A_15] : memref<1x4096x1xf32, #tpu.memory_space<vmem>>, vector<1x512x1xf32>
    %get3A_17 = vector.shape_cast %get3A_16 : vector<1x512x1xf32> to vector<512x1xf32>
    %get3A_18 = arith.constant 0 : index
    %get3A_19 = arith.index_cast %mul3A_0 : i32 to index
    %get3A_20 = arith.constant 0 : index
    %get3A_21 = vector.load %arg5[%get3A_18, %get3A_19, %get3A_20] : memref<1x4096x8xbf16, #tpu.memory_space<vmem>>, vector<1x512x8xbf16>
    %get3A_22 = vector.shape_cast %get3A_21 : vector<1x512x8xbf16> to vector<512x8xbf16>
    %broadcast_in_dim3A = arith.constant 1.000000e+10 : f32
    %broadcast_in_dim3A_23 = vector.broadcast %broadcast_in_dim3A : f32 to vector<512x128xf32>
    %swap3A = arith.constant 0 : index
    %swap3A_24 = arith.constant 0 : index
    %swap3A_25 = vector.load %arg10[%swap3A, %swap3A_24] : memref<512x128xf32, #tpu.memory_space<vmem>>, vector<512x128xf32>
    tpu.vector_store %arg10[%swap3A, %swap3A_24], %broadcast_in_dim3A_23 {strides = array<i32>} : memref<512x128xf32, #tpu.memory_space<vmem>>, vector<512x128xf32>,
    %convert_element_type3A_26 = arith.sitofp %mul3A_0 : i32 to f32
    %add3A = arith.constant 5.120000e+02 : f32
    %add3A_27 = arith.addf %convert_element_type3A_26, %add3A : f32
    %le3A = arith.cmpf ole, %add3A_27, %get3A_9 : f32
    %convert_element_type3A_28 = arith.sitofp %mul3A_0 : i32 to f32
    %lt3A = arith.cmpf olt, %convert_element_type3A_28, %get3A_9 : f32
    %convert_element_type3A_29 = arith.sitofp %mul3A_0 : i32 to f32
    %add3A_30 = arith.constant 5.120000e+02 : f32
    %add3A_31 = arith.addf %convert_element_type3A_29, %add3A_30 : f32
    %lt3A_32 = arith.cmpf olt, %get3A_9, %add3A_31 : f32
    %and3A = arith.andi %lt3A, %lt3A_32 : i1
    %iota3A = tpu.iota {dimensions = array<i32: 0>} : vector<512x1xi32>
    %add3A_33 = vector.broadcast %mul3A_0 : i32 to vector<512x1xi32>
    %add3A_34 = arith.addi %iota3A, %add3A_33 : vector<512x1xi32>
    %convert_element_type3A_35 = arith.sitofp %add3A_34 : vector<512x1xi32> to vector<512x1xf32>
    %lt3A_36 = vector.broadcast %get3A_9 : f32 to vector<512x1xf32>
    %lt3A_37 = arith.cmpf olt, %convert_element_type3A_35, %lt3A_36 : vector<512x1xf32>
    %jit3A = arith.constant 0.000000e+00 : f32
    %jit3A_38 = arith.constant 1.000000e+10 : f32
    %broadcast_in_dim3A_39 = vector.broadcast %jit3A : f32 to vector<512x1xf32>
    %broadcast_in_dim3A_40 = vector.broadcast %jit3A_38 : f32 to vector<512x1xf32>
    %select_n3A = arith.select %lt3A_37, %broadcast_in_dim3A_39, %broadcast_in_dim3A_40 : vector<512x1xi1>, vector<512x1xf32>
    %broadcast_in_dim3A_41 = arith.constant 1.000000e+10 : f32
    %broadcast_in_dim3A_42 = vector.broadcast %broadcast_in_dim3A_41 : f32 to vector<512x128xf32>
    %scan3A = arith.constant 0 : i32
    %scan3A_43 = arith.constant 8 : i32
    %scan3A_44 = arith.addi %scan3A, %scan3A_43 : i32
    %scan3A_45 = arith.constant 1 : i32
    %scan3A_46 = scf.for %scan3A_96 = %scan3A to %scan3A_44 step %scan3A_45 iter_args(%scan3A_97 = %broadcast_in_dim3A_42) -> (vector<512x128xf32>)  : i32 {
      %mul3A_98 = arith.constant 512 : i32
      %mul3A_99 = arith.muli %scan3A_96, %mul3A_98 : i32
      %get3A_100 = arith.constant 0 : index
      %get3A_101 = arith.constant 0 : index
      %get3A_102 = arith.index_cast %mul3A_99 : i32 to index
      %get3A_103 = vector.load %arg6[%get3A_100, %get3A_101, %get3A_102] : memref<1x8x4096xbf16, #tpu.memory_space<vmem>>, vector<1x8x512xbf16>
      %get3A_104 = vector.shape_cast %get3A_103 : vector<1x8x512xbf16> to vector<8x512xbf16>
      %dot_general3A = arith.constant dense<0.000000e+00> : vector<512x512xf32>
      %dot_general3A_105 = tpu.matmul %get3A_22, %get3A_104, %dot_general3A {dimension_numbers = #tpu.dot_dimension_numbers<[1], [0], [0], [1], [0, 0, 1, 1], [], []>, transpose_lhs_hint = false} : vector<512x8xbf16>, vector<8x512xbf16>, vector<512x512xf32> -> vector<512x512xf32>
      %get3A_106 = arith.constant 0 : index
      %get3A_107 = arith.constant 0 : index
      %get3A_108 = arith.index_cast %mul3A_99 : i32 to index
      %get3A_109 = vector.load %arg4[%get3A_106, %get3A_107, %get3A_108] : memref<1x1x4096xf32, #tpu.memory_space<vmem>>, vector<1x1x512xf32>
      %get3A_110 = vector.shape_cast %get3A_109 : vector<1x1x512xf32> to vector<1x512xf32>
      %add3A_111 = vector.broadcast %get3A_110 : vector<1x512xf32> to vector<512x512xf32>
      %add3A_112 = arith.addf %add3A_111, %dot_general3A_105 : vector<512x512xf32>
      %slice3A = vector.extract_strided_slice %add3A_112 {offsets = [0, 0], sizes = [512, 128], strides = [1, 1]} : vector<512x512xf32> to vector<512x128xf32>
      %slice3A_113 = vector.extract_strided_slice %add3A_112 {offsets = [0, 128], sizes = [512, 128], strides = [1, 1]} : vector<512x512xf32> to vector<512x128xf32>
      %min3A = arith.minimumf %slice3A, %slice3A_113 : vector<512x128xf32>
      %slice3A_114 = vector.extract_strided_slice %add3A_112 {offsets = [0, 256], sizes = [512, 128], strides = [1, 1]} : vector<512x512xf32> to vector<512x128xf32>
      %min3A_115 = arith.minimumf %min3A, %slice3A_114 : vector<512x128xf32>
      %slice3A_116 = vector.extract_strided_slice %add3A_112 {offsets = [0, 384], sizes = [512, 128], strides = [1, 1]} : vector<512x512xf32> to vector<512x128xf32>
      %min3A_117 = arith.minimumf %min3A_115, %slice3A_116 : vector<512x128xf32>
      %min3A_118 = arith.minimumf %scan3A_97, %min3A_117 : vector<512x128xf32>
      %convert_element_type3A_119 = arith.sitofp %mul3A_99 : i32 to f32
      %add3A_120 = arith.constant 5.120000e+02 : f32
      %add3A_121 = arith.addf %convert_element_type3A_119, %add3A_120 : f32
      %le3A_122 = arith.cmpf ole, %add3A_121, %get3A_12 : f32
      %convert_element_type3A_123 = arith.extui %le3A_122 : i1 to i32
      %cond3A_124 = arith.constant 0 : i32
      %cond3A_125 = arith.cmpi ne, %convert_element_type3A_123, %cond3A_124 : i32
      scf.if %cond3A_125 {
        %get3A_154 = arith.constant 0 : index
        %get3A_155 = arith.constant 0 : index
        %get3A_156 = vector.load %arg10[%get3A_154, %get3A_155] : memref<512x128xf32, #tpu.memory_space<vmem>>, vector<512x128xf32>
        %min3A_157 = arith.minimumf %get3A_156, %min3A_117 : vector<512x128xf32>
        %swap3A_158 = arith.constant 0 : index
        %swap3A_159 = arith.constant 0 : index
        %swap3A_160 = vector.load %arg10[%swap3A_158, %swap3A_159] : memref<512x128xf32, #tpu.memory_space<vmem>>, vector<512x128xf32>
        tpu.vector_store %arg10[%swap3A_158, %swap3A_159], %min3A_157 {strides = array<i32>} : memref<512x128xf32, #tpu.memory_space<vmem>>, vector<512x128xf32>,
      } else {
      }
      %convert_element_type3A_126 = arith.sitofp %mul3A_99 : i32 to f32
      %lt3A_127 = arith.cmpf olt, %convert_element_type3A_126, %get3A_12 : f32
      %convert_element_type3A_128 = arith.sitofp %mul3A_99 : i32 to f32
      %add3A_129 = arith.constant 5.120000e+02 : f32
      %add3A_130 = arith.addf %convert_element_type3A_128, %add3A_129 : f32
      %lt3A_131 = arith.cmpf olt, %get3A_12, %add3A_130 : f32
      %and3A_132 = arith.andi %lt3A_127, %lt3A_131 : i1
      %convert_element_type3A_133 = arith.extui %and3A_132 : i1 to i32
      %cond3A_134 = arith.constant 0 : i32
      %cond3A_135 = arith.cmpi ne, %convert_element_type3A_133, %cond3A_134 : i32
      scf.if %cond3A_135 {
        %iota3A_154 = tpu.iota {dimensions = array<i32: 1>} : vector<1x512xi32>
        %add3A_155 = vector.broadcast %mul3A_99 : i32 to vector<1x512xi32>
        %add3A_156 = arith.addi %iota3A_154, %add3A_155 : vector<1x512xi32>
        %convert_element_type3A_157 = arith.sitofp %add3A_156 : vector<1x512xi32> to vector<1x512xf32>
        %lt3A_158 = vector.broadcast %get3A_12 : f32 to vector<1x512xf32>
        %lt3A_159 = arith.cmpf olt, %convert_element_type3A_157, %lt3A_158 : vector<1x512xf32>
        %jit3A_160 = arith.constant 0.000000e+00 : f32
        %jit3A_161 = arith.constant 1.000000e+10 : f32
        %broadcast_in_dim3A_162 = vector.broadcast %jit3A_160 : f32 to vector<1x512xf32>
        %broadcast_in_dim3A_163 = vector.broadcast %jit3A_161 : f32 to vector<1x512xf32>
        %select_n3A_164 = arith.select %lt3A_159, %broadcast_in_dim3A_162, %broadcast_in_dim3A_163 : vector<1x512xi1>, vector<1x512xf32>
        %add3A_165 = vector.broadcast %select_n3A_164 : vector<1x512xf32> to vector<512x512xf32>
        %add3A_166 = arith.addf %add3A_112, %add3A_165 : vector<512x512xf32>
        %get3A_167 = arith.constant 0 : index
        %get3A_168 = arith.constant 0 : index
        %get3A_169 = vector.load %arg10[%get3A_167, %get3A_168] : memref<512x128xf32, #tpu.memory_space<vmem>>, vector<512x128xf32>
        %slice3A_170 = vector.extract_strided_slice %add3A_166 {offsets = [0, 0], sizes = [512, 128], strides = [1, 1]} : vector<512x512xf32> to vector<512x128xf32>
        %slice3A_171 = vector.extract_strided_slice %add3A_166 {offsets = [0, 128], sizes = [512, 128], strides = [1, 1]} : vector<512x512xf32> to vector<512x128xf32>
        %min3A_172 = arith.minimumf %slice3A_170, %slice3A_171 : vector<512x128xf32>
        %slice3A_173 = vector.extract_strided_slice %add3A_166 {offsets = [0, 256], sizes = [512, 128], strides = [1, 1]} : vector<512x512xf32> to vector<512x128xf32>
        %min3A_174 = arith.minimumf %min3A_172, %slice3A_173 : vector<512x128xf32>
        %slice3A_175 = vector.extract_strided_slice %add3A_166 {offsets = [0, 384], sizes = [512, 128], strides = [1, 1]} : vector<512x512xf32> to vector<512x128xf32>
        %min3A_176 = arith.minimumf %min3A_174, %slice3A_175 : vector<512x128xf32>
        %min3A_177 = arith.minimumf %get3A_169, %min3A_176 : vector<512x128xf32>
        %swap3A_178 = arith.constant 0 : index
        %swap3A_179 = arith.constant 0 : index
        %swap3A_180 = vector.load %arg10[%swap3A_178, %swap3A_179] : memref<512x128xf32, #tpu.memory_space<vmem>>, vector<512x128xf32>
        tpu.vector_store %arg10[%swap3A_178, %swap3A_179], %min3A_177 {strides = array<i32>} : memref<512x128xf32, #tpu.memory_space<vmem>>, vector<512x128xf32>,
      } else {
      }
      %add3A_136 = vector.broadcast %get3A_17 : vector<512x1xf32> to vector<512x512xf32>
      %add3A_137 = arith.addf %add3A_136, %dot_general3A_105 : vector<512x512xf32>
      %reduce_min3A_138 = arith.constant dense<0x7F800000> : vector<512xf32>
      %reduce_min3A_139 = vector.multi_reduction <minimumf>, %add3A_137, %reduce_min3A_138 [0] : vector<512x512xf32> to vector<512xf32>
      %broadcast_in_dim3A_140 = vector.shape_cast %reduce_min3A_139 : vector<512xf32> to vector<1x512xf32>
      %get3A_141 = arith.constant 0 : index
      %get3A_142 = arith.index_cast %mul3A_99 : i32 to index
      %get3A_143 = vector.load %arg8[%get3A_141, %get3A_142] : memref<1x4096xf32, #tpu.memory_space<vmem>>, vector<1x512xf32>
      %min3A_144 = arith.minimumf %get3A_143, %broadcast_in_dim3A_140 : vector<1x512xf32>
      %swap3A_145 = arith.constant 0 : index
      %swap3A_146 = arith.index_cast %mul3A_99 : i32 to index
      %swap3A_147 = vector.load %arg8[%swap3A_145, %swap3A_146] : memref<1x4096xf32, #tpu.memory_space<vmem>>, vector<1x512xf32>
      tpu.vector_store %arg8[%swap3A_145, %swap3A_146], %min3A_144 {strides = array<i32>} : memref<1x4096xf32, #tpu.memory_space<vmem>>, vector<1x512xf32>,
      %convert_element_type3A_148 = arith.extui %le3A : i1 to i32
      %cond3A_149 = arith.constant 0 : i32
      %cond3A_150 = arith.cmpi ne, %convert_element_type3A_148, %cond3A_149 : i32
      scf.if %cond3A_150 {
        %get3A_154 = arith.constant 0 : index
        %get3A_155 = arith.index_cast %mul3A_99 : i32 to index
        %get3A_156 = vector.load %arg9[%get3A_154, %get3A_155] : memref<1x4096xf32, #tpu.memory_space<vmem>>, vector<1x512xf32>
        %min3A_157 = arith.minimumf %get3A_156, %broadcast_in_dim3A_140 : vector<1x512xf32>
        %swap3A_158 = arith.constant 0 : index
        %swap3A_159 = arith.index_cast %mul3A_99 : i32 to index
        %swap3A_160 = vector.load %arg9[%swap3A_158, %swap3A_159] : memref<1x4096xf32, #tpu.memory_space<vmem>>, vector<1x512xf32>
        tpu.vector_store %arg9[%swap3A_158, %swap3A_159], %min3A_157 {strides = array<i32>} : memref<1x4096xf32, #tpu.memory_space<vmem>>, vector<1x512xf32>,
      } else {
      }
      %convert_element_type3A_151 = arith.extui %and3A : i1 to i32
      %cond3A_152 = arith.constant 0 : i32
      %cond3A_153 = arith.cmpi ne, %convert_element_type3A_151, %cond3A_152 : i32
      scf.if %cond3A_153 {
        %add3A_154 = vector.broadcast %select_n3A : vector<512x1xf32> to vector<512x512xf32>
        %add3A_155 = arith.addf %add3A_137, %add3A_154 : vector<512x512xf32>
        %reduce_min3A_156 = arith.constant dense<0x7F800000> : vector<512xf32>
        %reduce_min3A_157 = vector.multi_reduction <minimumf>, %add3A_155, %reduce_min3A_156 [0] : vector<512x512xf32> to vector<512xf32>
        %broadcast_in_dim3A_158 = vector.shape_cast %reduce_min3A_157 : vector<512xf32> to vector<1x512xf32>
        %get3A_159 = arith.constant 0 : index
        %get3A_160 = arith.index_cast %mul3A_99 : i32 to index
        %get3A_161 = vector.load %arg9[%get3A_159, %get3A_160] : memref<1x4096xf32, #tpu.memory_space<vmem>>, vector<1x512xf32>
        %min3A_162 = arith.minimumf %get3A_161, %broadcast_in_dim3A_158 : vector<1x512xf32>
        %swap3A_163 = arith.constant 0 : index
        %swap3A_164 = arith.index_cast %mul3A_99 : i32 to index
        %swap3A_165 = vector.load %arg9[%swap3A_163, %swap3A_164] : memref<1x4096xf32, #tpu.memory_space<vmem>>, vector<1x512xf32>
        tpu.vector_store %arg9[%swap3A_163, %swap3A_164], %min3A_162 {strides = array<i32>} : memref<1x4096xf32, #tpu.memory_space<vmem>>, vector<1x512xf32>,
      } else {
      }
      scf.yield %min3A_118 : vector<512x128xf32>
    }
    %scan3A_47 = arith.constant 8 : i32
    %reduce_min3A = arith.constant dense<0x7F800000> : vector<512xf32>
    %reduce_min3A_48 = vector.multi_reduction <minimumf>, %scan3A_46, %reduce_min3A [1] : vector<512x128xf32> to vector<512xf32>
    %broadcast_in_dim3A_49 = vector.shape_cast %reduce_min3A_48 : vector<512xf32> to vector<512x1xf32>
    %add3A_50 = arith.addf %get3A_17, %broadcast_in_dim3A_49 : vector<512x1xf32>
    %max3A = arith.constant 0.000000e+00 : f32
    %max3A_51 = vector.broadcast %max3A : f32 to vector<512x1xf32>
    %max3A_52 = arith.maximumf %add3A_50, %max3A_51 : vector<512x1xf32>
    %get3A_53 = arith.constant 0 : index
    %get3A_54 = arith.constant 0 : index
    %get3A_55 = vector.load %arg10[%get3A_53, %get3A_54] : memref<512x128xf32, #tpu.memory_space<vmem>>, vector<512x128xf32>
    %reduce_min3A_56 = arith.constant dense<0x7F800000> : vector<512xf32>
    %reduce_min3A_57 = vector.multi_reduction <minimumf>, %get3A_55, %reduce_min3A_56 [1] : vector<512x128xf32> to vector<512xf32>
    %broadcast_in_dim3A_58 = vector.shape_cast %reduce_min3A_57 : vector<512xf32> to vector<512x1xf32>
    %add3A_59 = arith.addf %get3A_17, %broadcast_in_dim3A_58 : vector<512x1xf32>
    %max3A_60 = arith.constant 0.000000e+00 : f32
    %max3A_61 = vector.broadcast %max3A_60 : f32 to vector<512x1xf32>
    %max3A_62 = arith.maximumf %add3A_59, %max3A_61 : vector<512x1xf32>
    %get3A_63 = arith.constant 0 : index
    %get3A_64 = arith.constant 0 : index
    %get3A_65 = memref.load %arg11[%get3A_63, %get3A_64] : memref<8x1xf32, #tpu.memory_space<smem>>
    %reduce_sum3A = vector.shape_cast %max3A_52 : vector<512x1xf32> to vector<1x512x1xf32>
    %reduce_sum3A_66 = arith.constant dense<0.000000e+00> : vector<1xf32>
    %reduce_sum3A_67 = vector.multi_reduction <add>, %reduce_sum3A, %reduce_sum3A_66 [1, 2] : vector<1x512x1xf32> to vector<1xf32>
    %reduce_sum3A_68 = vector.shape_cast %reduce_sum3A_67 : vector<1xf32> to vector<1x1x1xf32>
    %reduce_sum3A_69 = vector.extract %reduce_sum3A_68[0, 0, 0] : f32 from vector<1x1x1xf32>
    %add3A_70 = arith.addf %get3A_65, %reduce_sum3A_69 : f32
    %swap3A_71 = arith.constant 0 : index
    %swap3A_72 = arith.constant 0 : index
    %swap3A_73 = memref.load %arg11[%swap3A_71, %swap3A_72] : memref<8x1xf32, #tpu.memory_space<smem>>
    memref.store %add3A_70, %arg11[%swap3A_71, %swap3A_72] : memref<8x1xf32, #tpu.memory_space<smem>>
    %get3A_74 = arith.constant 1 : index
    %get3A_75 = arith.constant 0 : index
    %get3A_76 = memref.load %arg11[%get3A_74, %get3A_75] : memref<8x1xf32, #tpu.memory_space<smem>>
    %lt3A_77 = vector.broadcast %get3A_9 : f32 to vector<512x1xf32>
    %lt3A_78 = arith.cmpf olt, %convert_element_type3A_35, %lt3A_77 : vector<512x1xf32>
    %jit3A_79 = arith.constant 0.000000e+00 : f32
    %broadcast_in_dim3A_80 = vector.broadcast %jit3A_79 : f32 to vector<512x1xf32>
    %select_n3A_81 = arith.select %lt3A_78, %max3A_62, %broadcast_in_dim3A_80 : vector<512x1xi1>, vector<512x1xf32>
    %reduce_sum3A_82 = vector.shape_cast %select_n3A_81 : vector<512x1xf32> to vector<1x512x1xf32>
    %reduce_sum3A_83 = arith.constant dense<0.000000e+00> : vector<1xf32>
    %reduce_sum3A_84 = vector.multi_reduction <add>, %reduce_sum3A_82, %reduce_sum3A_83 [1, 2] : vector<1x512x1xf32> to vector<1xf32>
    %reduce_sum3A_85 = vector.shape_cast %reduce_sum3A_84 : vector<1xf32> to vector<1x1x1xf32>
    %reduce_sum3A_86 = vector.extract %reduce_sum3A_85[0, 0, 0] : f32 from vector<1x1x1xf32>
    %add3A_87 = arith.addf %get3A_76, %reduce_sum3A_86 : f32
    %swap3A_88 = arith.constant 1 : index
    %swap3A_89 = arith.constant 0 : index
    %swap3A_90 = memref.load %arg11[%swap3A_88, %swap3A_89] : memref<8x1xf32, #tpu.memory_space<smem>>
    memref.store %add3A_87, %arg11[%swap3A_88, %swap3A_89] : memref<8x1xf32, #tpu.memory_space<smem>>
    %eq3A_91 = arith.constant 7 : i32
    %eq3A_92 = arith.cmpi eq, %arg1, %eq3A_91 : i32
    %convert_element_type3A_93 = arith.extui %eq3A_92 : i1 to i32
    %cond3A_94 = arith.constant 0 : i32
    %cond3A_95 = arith.cmpi ne, %convert_element_type3A_93, %cond3A_94 : i32
    scf.if %cond3A_95 {
      %iota3A_96 = tpu.iota {dimensions = array<i32: 1>} : vector<1x4096xi32>
      %convert_element_type3A_97 = arith.sitofp %iota3A_96 : vector<1x4096xi32> to vector<1x4096xf32>
      %lt3A_98 = vector.broadcast %get3A_12 : f32 to vector<1x4096xf32>
      %lt3A_99 = arith.cmpf olt, %convert_element_type3A_97, %lt3A_98 : vector<1x4096xf32>
      %get3A_100 = arith.constant 0 : index
      %get3A_101 = arith.constant 0 : index
      %get3A_102 = vector.load %arg8[%get3A_100, %get3A_101] : memref<1x4096xf32, #tpu.memory_space<vmem>>, vector<1x4096xf32>
      %add3A_103 = arith.addf %get3A_4, %get3A_102 : vector<1x4096xf32>
      %max3A_104 = arith.constant 0.000000e+00 : f32
      %max3A_105 = vector.broadcast %max3A_104 : f32 to vector<1x4096xf32>
      %max3A_106 = arith.maximumf %add3A_103, %max3A_105 : vector<1x4096xf32>
      %get3A_107 = arith.constant 0 : index
      %get3A_108 = arith.constant 0 : index
      %get3A_109 = vector.load %arg9[%get3A_107, %get3A_108] : memref<1x4096xf32, #tpu.memory_space<vmem>>, vector<1x4096xf32>
      %add3A_110 = arith.addf %get3A_4, %get3A_109 : vector<1x4096xf32>
      %max3A_111 = arith.constant 0.000000e+00 : f32
      %max3A_112 = vector.broadcast %max3A_111 : f32 to vector<1x4096xf32>
      %max3A_113 = arith.maximumf %add3A_110, %max3A_112 : vector<1x4096xf32>
      %reduce_sum3A_114 = vector.shape_cast %max3A_106 : vector<1x4096xf32> to vector<1x1x4096xf32>
      %reduce_sum3A_115 = arith.constant dense<0.000000e+00> : vector<1xf32>
      %reduce_sum3A_116 = vector.multi_reduction <add>, %reduce_sum3A_114, %reduce_sum3A_115 [1, 2] : vector<1x1x4096xf32> to vector<1xf32>
      %reduce_sum3A_117 = vector.shape_cast %reduce_sum3A_116 : vector<1xf32> to vector<1x1x1xf32>
      %reduce_sum3A_118 = vector.extract %reduce_sum3A_117[0, 0, 0] : f32 from vector<1x1x1xf32>
      %jit3A_119 = arith.constant 0.000000e+00 : f32
      %broadcast_in_dim3A_120 = vector.broadcast %jit3A_119 : f32 to vector<1x4096xf32>
      %select_n3A_121 = arith.select %lt3A_99, %max3A_113, %broadcast_in_dim3A_120 : vector<1x4096xi1>, vector<1x4096xf32>
      %reduce_sum3A_122 = vector.shape_cast %select_n3A_121 : vector<1x4096xf32> to vector<1x1x4096xf32>
      %reduce_sum3A_123 = arith.constant dense<0.000000e+00> : vector<1xf32>
      %reduce_sum3A_124 = vector.multi_reduction <add>, %reduce_sum3A_122, %reduce_sum3A_123 [1, 2] : vector<1x1x4096xf32> to vector<1xf32>
      %reduce_sum3A_125 = vector.shape_cast %reduce_sum3A_124 : vector<1xf32> to vector<1x1x1xf32>
      %reduce_sum3A_126 = vector.extract %reduce_sum3A_125[0, 0, 0] : f32 from vector<1x1x1xf32>
      %get3A_127 = arith.constant 0 : index
      %get3A_128 = arith.constant 0 : index
      %get3A_129 = memref.load %arg11[%get3A_127, %get3A_128] : memref<8x1xf32, #tpu.memory_space<smem>>
      %div3A = arith.constant 4.096000e+03 : f32
      %div3A_130 = arith.divf %get3A_129, %div3A : f32
      %div3A_131 = arith.constant 4.096000e+03 : f32
      %div3A_132 = arith.divf %reduce_sum3A_118, %div3A_131 : f32
      %add3A_133 = arith.addf %div3A_130, %div3A_132 : f32
      %get3A_134 = arith.constant 1 : index
      %get3A_135 = arith.constant 0 : index
      %get3A_136 = memref.load %arg11[%get3A_134, %get3A_135] : memref<8x1xf32, #tpu.memory_space<smem>>
      %get3A_137 = arith.constant 2 : index
      %get3A_138 = arith.constant 0 : index
      %get3A_139 = memref.load %arg11[%get3A_137, %get3A_138] : memref<8x1xf32, #tpu.memory_space<smem>>
      %max3A_140 = arith.constant 1.000000e+00 : f32
      %max3A_141 = arith.maximumf %get3A_139, %max3A_140 : f32
      %div3A_142 = arith.divf %get3A_136, %max3A_141 : f32
      %get3A_143 = arith.constant 3 : index
      %get3A_144 = arith.constant 0 : index
      %get3A_145 = memref.load %arg11[%get3A_143, %get3A_144] : memref<8x1xf32, #tpu.memory_space<smem>>
      %max3A_146 = arith.constant 1.000000e+00 : f32
      %max3A_147 = arith.maximumf %get3A_145, %max3A_146 : f32
      %div3A_148 = arith.divf %reduce_sum3A_126, %max3A_147 : f32
      %add3A_149 = arith.addf %div3A_142, %div3A_148 : f32
      %mul3A_150 = arith.constant 0.699999988 : f32
      %mul3A_151 = arith.mulf %mul3A_150, %add3A_149 : f32
      %mul3A_152 = arith.constant 3.000000e-01 : f32
      %mul3A_153 = arith.mulf %mul3A_152, %add3A_133 : f32
      %add3A_154 = arith.addf %mul3A_151, %mul3A_153 : f32
      %broadcast_in_dim3A_155 = vector.broadcast %add3A_154 : f32 to vector<1x1x1xf32>
      %swap3A_156 = arith.constant 0 : index
      %swap3A_157 = arith.constant 0 : index
      %swap3A_158 = arith.constant 0 : index
      %swap3A_159 = vector.load %arg7[%swap3A_156, %swap3A_157, %swap3A_158] : memref<1x1x1xf32, #tpu.memory_space<vmem>>, vector<1x1x1xf32>
      tpu.vector_store %arg7[%swap3A_156, %swap3A_157, %swap3A_158], %broadcast_in_dim3A_155 {strides = array<i32>} : memref<1x1x1xf32, #tpu.memory_space<vmem>>, vector<1x1x1xf32>,
    } else {
    }
    return
  }
  func.func @transform_0(%arg0: i32, %arg1: i32) -> (i32, i32, i32) {
    %c0_i32 = arith.constant 0 : i32
    %c0_i32_0 = arith.constant 0 : i32
    %c0_i32_1 = arith.constant 0 : i32
    return %arg0, %c0_i32, %c0_i32_0 : i32, i32, i32
  }
  func.func @transform_1(%arg0: i32, %arg1: i32) -> (i32, i32, i32) {
    %c0_i32 = arith.constant 0 : i32
    %c0_i32_0 = arith.constant 0 : i32
    %c0_i32_1 = arith.constant 0 : i32
    return %arg0, %c0_i32, %c0_i32_0 : i32, i32, i32
  }
  func.func @transform_2(%arg0: i32, %arg1: i32) -> (i32, i32, i32) {
    %c0_i32 = arith.constant 0 : i32
    %c0_i32_0 = arith.constant 0 : i32
    %c0_i32_1 = arith.constant 0 : i32
    return %arg0, %c0_i32, %c0_i32_0 : i32, i32, i32
  }
  func.func @transform_3(%arg0: i32, %arg1: i32) -> (i32, i32, i32) {
    %c0_i32 = arith.constant 0 : i32
    %c0_i32_0 = arith.constant 0 : i32
    %c0_i32_1 = arith.constant 0 : i32
    return %arg0, %c0_i32, %c0_i32_0 : i32, i32, i32
  }
  func.func @transform_4(%arg0: i32, %arg1: i32) -> (i32, i32, i32) {
    %c0_i32 = arith.constant 0 : i32
    %c0_i32_0 = arith.constant 0 : i32
    %c0_i32_1 = arith.constant 0 : i32
    return %arg0, %c0_i32, %c0_i32_0 : i32, i32, i32
  }
  func.func @transform_5(%arg0: i32, %arg1: i32) -> (i32, i32, i32) {
    %c0_i32 = arith.constant 0 : i32
    %c0_i32_0 = arith.constant 0 : i32
    %c0_i32_1 = arith.constant 0 : i32
    return %arg0, %c0_i32, %c0_i32_0 : i32, i32, i32
  }
}

</mosaic_0001>

<sc_bundles>
// kernel: gather_offload_async_start.1
scs
__scs_entry_jumppad:
0x0: {  	(pc) =	sbr.rel $0x88, $3  }
0x1: {  	(tag) =	ssettag $0x0;
	lr =	simm.s32 $0x1  }
0x2: {  	[smem:$0x3F9F] =	sst lr;
	_ =	strace $0xD0000000  }
0x3: {  	_ = 	snop  }
0x4: {  	_ = 	snop  }
0x5: {  	_ = 	snop  }
0x6: {  	_ = 	snop  }
0x7: {  	_ = 	snop  }
__scs_overlays_trampoline_lowered:
0x8: {  	[smem:$0x3FAE] =	sst s0  }
0x9: {  	[smem:$0x3FAF] =	sst s1  }
0xa: {  	[smem:$0x3FB0] =	sst s2  }
0xb: {  	[smem:$0x3FB1] =	sst s3  }
0xc: {  	[smem:$0x3FB2] =	sst s4  }
0xd: {  	[smem:$0x3FB3] =	sst s5  }
0xe: {  	[smem:$0x3FB4] =	sst s6  }
0xf: {  	[smem:$0x3FB5] =	sst s7  }
0x10: {  	[smem:$0x3FB6] =	sst s8  }
0x11: {  	[smem:$0x3FB7] =	sst s9;
	s0 =	simm.s32 @!p0 $0x0  }
0x12: {  	s1 =	sld [smem:$0x3F9D];
	s0 =	simm.s32 @p0 $0x1  }
0x13: {  	[smem:$0x3FB8] =	sst s0;
	s0 =	simm.s32 @!p1 $0x0  }
0x14: {  	s2 =	sld [smem:$0x3F9C];
	s0 =	simm.s32 @p1 $0x1  }
0x15: {  	[smem:$0x3FB9] =	sst s0;
	s0 =	simm.s32 @!p2 $0x0  }
0x16: {  	s3 =	sld [smem:$0x3FDB];
	s0 =	simm.s32 @p2 $0x1  }
0x17: {  	s4 =	simm.s32 $0x1BF5;
	[smem:$0x3FBB] =	sst s0  }
0x18: {  	s0 =	sld [smem:$0x3F9E];
	_ =	swait.ge [sflag:s4], $0x0  }
0x19: {  	s7 =	sld [smem:$0x3F9F]  }
0x1a: {  	s8 =	sadd.s32 $0xFFFFE003, lr  }
0x1b: {  	s9 =	sadd.s32 $0xFFFFFEF7, lr;
	s5 =	simm.s32 $0xFFFFFFFF;
	p2 =	slt.u32 s8, $0xFFFFF086  }
0x1c: {  	p1 =	slt.u32 s9, $0xF7A;
	s5 =	simm.s32 @!p2 $0x0  }
0x1d: {  	s5 =	simm.s32 @p1 $0x1;
	p0 =	seq.s32 s7, s2  }
0x1e: {  	s7 =	smul.u32 @!p0 $0xF7A, s2;
	p2 =	seq.s32 @!p0 s5, $0x0  }
0x1f: {  	s9 =	smul.u32 $0xF7A, s1;
	s8 =	simm.s32 @!p0 $0x1BF5;
	p2 =	por !p2, p0  }
0x20: {  	[sflag:s8] =	ssyncset.s32 @!p0 $0xFFFFF086;
	s6 =	sadd.s32 @!p0 s3, s7;
	s7 =	simm.s32 @!p0 $0x108  }
0x21: {  	s3 =	sadd.s32 s3, s9;
	s6 =	sadd.s32 @!p0 $0x88, s6;
	s7 =	simm.s32 @p2 $0x1082  }
0x22: {  	[simem:s7], [sflag:s8] =	dma.local @!p0 [hbm:s6], $0xF7A  }
0x23: {  	s9 =	sor.u32 $0xD0000000, s2;
	s6 =	simm.s32 $0x108;
	_ =	swait.ge @!p0 [sflag:s8], $0x0  }
0x24: {  	s3 =	sadd.s32 $0x88, s3;
	s6 =	simm.s32 @!p1 $0x1082;
	[sflag:s4] =	ssyncset.s32 $0xFFFFF086  }
0x25: {  	[simem:s6], [sflag:s4] =	dma.local [hbm:s3], $0xF7A  }
0x26: {  	[smem:$0x3F9F] =	sst s1;
	(tag) =	ssettag s2;
	_ =	strace s9  }
0x27: {  	s1 =	sld [smem:$0x3FAF]  }
0x28: {  	s2 =	sld [smem:$0x3FB0]  }
0x29: {  	s4 =	sld [smem:$0x3FB2]  }
0x2a: {  	p0 =	seq.s32 s5, $0x0;
	s5 =	sld [smem:$0x3FB3]  }
0x2b: {  	s6 =	sld [smem:$0x3FB4]  }
0x2c: {  	s7 =	sld [smem:$0x3FB5]  }
0x2d: {  	s3 =	simm.s32 $0x108;
	s8 =	sld [smem:$0x3FB6]  }
0x2e: {  	s3 =	simm.s32 @!p0 $0x1082;
	s9 =	sld [smem:$0x3FB7]  }
0x2f: {  	lr =	sadd.s32 s0, s3;
	s0 =	sld [smem:$0x3FAE]  }
0x30: {  	s3 =	sld [smem:$0x3FB1]  }
0x31: {  	[smem:$0x3FBA] =	sst s10  }
0x32: {  	s10 =	sld [smem:$0x3FB8];
	_ =	sdelay $0x3  }
0x33: {  	p0 =	seq.s32 s10, $0x1;
	s10 =	sld [smem:$0x3FBA];
	_ =	sdelay $0x3  }
0x34: {  	[smem:$0x3FBA] =	sst s10  }
0x35: {  	s10 =	sld [smem:$0x3FB9];
	_ =	sdelay $0x3  }
0x36: {  	p1 =	seq.s32 s10, $0x1;
	s10 =	sld [smem:$0x3FBA];
	_ =	sdelay $0x3  }
0x37: {  	[smem:$0x3FBA] =	sst s10  }
0x38: {  	s10 =	sld [smem:$0x3FBB]  }
0x39: {  	_ = 	snop;
	(pc) =	sbr.ind lr, $3  }
0x3a: {  	_ = 	snop  }
0x3b: {  	_ = 	snop  }
0x3c: {  	p2 =	seq.s32 s10, $0x1;
	s10 =	sld [smem:$0x3FBA]  }
0x3d: {  	_ =	shalt  }
0x3e: {  	_ =	shalt  }
0x3f: {  	_ =	shalt  }
0x40: {  	_ =	shalt  }
0x41: {  	_ =	shalt  }
0x42: {  	_ =	shalt  }
0x43: {  	_ =	shalt  }
0x44: {  	_ =	shalt  }
0x45: {  	_ =	shalt  }
0x46: {  	_ =	shalt  }
0x47: {  	_ =	shalt  }
0x48: {  	_ =	shalt  }
0x49: {  	_ =	shalt  }
0x4a: {  	_ =	shalt  }
0x4b: {  	_ =	shalt  }
0x4c: {  	_ =	shalt  }
0x4d: {  	_ =	shalt  }
0x4e: {  	_ =	shalt  }
0x4f: {  	_ =	shalt  }
0x50: {  	_ =	shalt  }
0x51: {  	_ =	shalt  }
0x52: {  	_ =	shalt  }
0x53: {  	_ =	shalt  }
0x54: {  	_ =	shalt  }
0x55: {  	_ =	shalt  }
0x56: {  	_ =	shalt  }
0x57: {  	_ =	shalt  }
0x58: {  	_ =	shalt  }
0x59: {  	_ =	shalt  }
0x5a: {  	_ =	shalt  }
0x5b: {  	_ =	shalt  }
0x5c: {  	_ =	shalt  }
0x5d: {  	_ =	shalt  }
0x5e: {  	_ =	shalt  }
0x5f: {  	_ =	shalt  }
0x60: {  	_ =	shalt  }
0x61: {  	_ =	shalt  }
0x62: {  	_ =	shalt  }
0x63: {  	_ =	shalt  }
0x64: {  	_ =	shalt  }
0x65: {  	_ =	shalt  }
0x66: {  	_ =	shalt  }
0x67: {  	_ =	shalt  }
0x68: {  	_ =	shalt  }
0x69: {  	_ =	shalt  }
0x6a: {  	_ =	shalt  }
0x6b: {  	_ =	shalt  }
0x6c: {  	_ =	shalt  }
0x6d: {  	_ =	shalt  }
0x6e: {  	_ =	shalt  }
0x6f: {  	_ =	shalt  }
0x70: {  	_ =	shalt  }
0x71: {  	_ =	shalt  }
0x72: {  	_ =	shalt  }
0x73: {  	_ =	shalt  }
0x74: {  	_ =	shalt  }
0x75: {  	_ =	shalt  }
0x76: {  	_ =	shalt  }
0x77: {  	_ =	shalt  }
0x78: {  	_ =	shalt  }
0x79: {  	_ =	shalt  }
0x7a: {  	_ =	shalt  }
0x7b: {  	_ =	shalt  }
0x7c: {  	_ =	shalt  }
0x7d: {  	_ =	shalt  }
0x7e: {  	_ =	shalt  }
0x7f: {  	_ =	shalt  }
0x80: {  	_ =	shalt  }
0x81: {  	_ =	shalt  }
0x82: {  	_ =	shalt  }
0x83: {  	_ =	shalt  }
0x84: {  	_ =	shalt  }
0x85: {  	_ =	shalt  }
0x86: {  	_ =	shalt  }
0x87: {  	_ =	shalt  }
.Lfunc_end0:
.L_simem_size_0:
called_computation.1_lowered:
.L_overlay_start_0:
0x88: {  	s2 =	sld [smem:$0x3FD9]  }
0x89: {  	s3 =	sld [smem:$0x3FFE];
	_ =	sdelay $0x1  }
0x8a: {  	s1 =	srdreg.scid  }
0x8b: {  	s0 =	sand.u32 $0x1, s1  }
0x8c: {  	s16 =	sshll.u32 s0, $0xA;
	s2 =	sadd.s32 s3, s2  }
0x8d: {  	s2 =	sadd.s32 s2, s16  }
0x8e: {  	[smem:$0x3FC6] =	sst s2  }
0x8f: {  	_ = 	snop  }
0x90: {  	(tm) =	ssettm $0x1  }
0x91: {  	s17 =	sld [smem:$0x3FFB];
	_ =	sdelay $0x3  }
0x92: {  	_ =	strace s17  }
0x93: {  	s2 =	sld [smem:$0x3FFC];
	_ =	sdelay $0x3  }
0x94: {  	_ =	strace s2  }
0x95: {  	s2 =	sld [smem:$0x3FFD];
	_ =	sdelay $0x3  }
0x96: {  	_ =	strace s2  }
0x97: {  	_ =	strace $0x8FFFFFFF  }
0x98: {  	s18 =	sld [smem:$0x3FDB];
	_ =	sdelay $0x1  }
0x99: {  	s19 =	simm.s32 $_scs_section_size  }
0x9a: {  	s4 =	simm.s32 $_size__tile_overlayer_lowered;
	s5 =	simm.s32 $_tile_overlayer_lowered  }
0x9b: {  	s22 =	simm.s32 $0x1BFF;
	s21 =	sshll.u32 s5, $0x1;
	s2 =	sadd.s32 s19, s18  }
0x9c: {  	s6 =	simm.s32 $0x0;
	s20 =	sshll.u32 s4, $0x1;
	s4 =	sadd.s32 s21, s2  }
0x9d: {  	[timem:s6], [sflag:s22] =	dma.local [hbm:s4], s20  }
0x9e: {  	_ =	swait.ge [sflag:s22], s20  }
0x9f: {  	s3 =	ssub.s32 $0x0, s20;
	[sflag:s22] =	ssyncset.done $0x0  }
0xa0: {  	[sflag:s22] =	ssyncadd.s32 s3;
	_ =	sdelay $0x1  }
0xa1: {  	s23 =	simm.s32 $0x1B8B  }
0xa2: {  	_ =	swait.ge [sflag:s23], $0x1  }
0xa3: {  	[sflag:s23] =	ssyncset.done $0x0  }
0xa4: {  	s25 =	simm.s32 $0x1B8E;
	s24 =	sld [smem:$0x3FFE];
	[sflag:s23] =	ssyncadd.s32 $0xFFFFFFFF  }
0xa5: {  	s26 =	simm.s32 $execute0_lowered;
	[smem:$0x3FD2] =	sst s25  }
0xa6: {  	s4 =	sshll.u32 s26, $0x1;
	_ =	strace $0x80000046;
	[dreg:$0x1] =	wrdreg $0xFFFFFFFF  }
0xa7: {  	s28 =	simm.s32 $_size_execute0_lowered;
	s2 =	sadd.s32 s2, s4;
	[dreg:$0x0] =	wrdreg $0x0  }
0xa8: {  	s4 =	sshll.u32 s28, $0x1;
	[dreg:$0x2] =	wrdreg s2  }
0xa9: {  	[dreg:$0x3] =	wrdreg s4  }
0xaa: {  	[dreg:$0x4] =	wrdreg $0xC0  }
0xab: {  	_ =	task [dreg:s6], $0x5FFFF  }
0xac: {  	[dreg:$0x1] =	wrdreg $0xFFFFFFFF  }
0xad: {  	[dreg:$0x0] =	wrdreg $0x60  }
0xae: {  	[dreg:$0x2] =	wrdreg s24  }
0xaf: {  	[dreg:$0x3] =	wrdreg $0x9  }
0xb0: {  	_ =	task.clear_ibuf [dreg:s6], $0x4FFFF;
	_ =	strace $0x90000046  }
0xb1: {  	s29 =	simm.s32 $0x9;
	_ =	strace $0x80000048  }
0xb2: {  	_ =	swait.ge [sflag:s29], $0x1  }
0xb3: {  	[sflag:s29] =	ssyncadd.s32 $0xFFFFFFFF  }
0xb4: {  	_ =	strace $0x90000048  }
0xb5: {  	_ =	sfence  }
0xb6: {  	s30 =	sld [smem:$0x0];
	_ =	sdelay $0x2  }
0xb7: {  	s31 =	sshll.u32 s1, $0xD;
	s1 =	sshrl.u32 s1, $0x2  }
0xb8: {  	s3 =	sand.u32 $0x4000, s31;
	s1 =	sadd.s32 s1, s30  }
0xb9: {  	s0 =	sor.u32 s3, s0;
	s1 =	sshll.u32 s1, $0x11  }
0xba: {  	s0 =	sor.u32 s1, s0  }
0xbb: {  	s0 =	sadd.s32 $0x8F2B, s0  }
0xbc: {  	[sflag:s0] =	ssyncadd.remote.s32 $0x1  }
0xbd: {  	_ =	sfence.sel $0xFFFF  }
0xbe: {  	[dreg:$0x0] =	wrdreg $0xFFFFFFFF;
	(pc) =	sbr.abs _section_cstart, $3  }
0xbf: {  	[dreg:$0x1] =	wrdreg $0xFFFFFFFF  }
0xc0: {  	_ =	task.clear_ibuf [dreg:s6], $0x2FFFF;
	_ =	strace $0x9FFFFFFF  }
0xc1: {  	(tm) =	ssettm $0x7FFFFFFF  }
tec
execute0_lowered:
.L_overlay_start_1:
0x0: {  	(tag) =	ssettag $0x1  }
0x1: {  	s0 =	srdreg.scid;
	s5 =	rddreg [dreg:$0x0]  }
0x2: {  	s1 =	stileid.u32;
	s6 =	simm.s32 $0x1;
	s9 =	simm.s32 $0x1  }
0x3: {  	s10 =	simm.s32 $0x3;
	s13 =	simm.s32 $0x0;
	s2 =	sshll.u32 s0, $0x7  }
0x4: {  	s12 =	simm.s32 $0x0;
	s3 =	sshll.u32 s1, $0x8;
	s2 =	sand.u32 $0x80, s2  }
0x5: {  	s0 =	rddreg [dreg:$0x1];
	_ =	strace $0x80000047;
	s2 =	sor.u32 s3, s2  }
0x6: {  	s4 =	sadd.s32 $0x800, s5;
	[sflag:s6] =	ssyncpa.u1 $0x0;
	s8 =	ssub.s32 $0x2000, s2  }
.Ltmp0:
0x7: {  	s3 =	sadd.s32 $0x400, s5;
	s7 =	sand.u32 $0xF80, s8;
	(pc) =	sbr.rel .LBB2_1-.Ltmp0, $4  }
0x8: {  	s5 =	sadd.s32 $0x1000, s5;
	s11 =	smov.u32 s2;
	p0 =	sne.s32 s7, $0x0  }
0x9: {  	s8 =	sshrl.u32 s8, $0xC;
	s7 =	simm.s32 $0x2;
	s9 =	simm.s32 @!p0 $0x0  }
0xa: {  	[sflag:s7] =	ssyncpa.u1 $0x0;
	p0 =	por $0x0, $0x0;
	s8 =	sadd.s32 s9, s8  }
0xb: {  	vm0 =	vmmov $0xffff;
	[sflag:s10] =	ssyncpa.u1 $0x0;
	s10 =	simm.s32 $0x0;
	s9 =	sadd.s32 $0x1, s8  }
.LBB2_4:
0xc: {  	v5 =	vld.msk [tilespmem:s18+$0x0 ss:$0x1], $0xffff  }
0xd: {  	v6 =	vand.u32 $0x1, v1;
	v7 =	vshrl.u32 v1, $0x1  }
0xe: {  	v3 =	vor.u32 v4, v3;
	vm1 =	veq.s32 v1, $0x80000000;
	v53 =	vand.u32 $0xFFF, v7  }
0xf: {  	v2 =	vor.u32 v2, v3;
	v54 =	vsel vm1, $0xFFFFFFFF, v6;
	v1 =	vsel vm1, $0xFFFFFFFF, v53  }
0x10: {  	v6 =	vshll.u32 v54, $0x7;
	v3 =	vand.u32 $0xFFFFE000, v54;
	v55 =	vand.u32 $0x7F, v1  }
0x11: {  	v1 =	vshll.u32 v1, $0x1;
	v6 =	vand.u32 $0x80, v6;
	v56 =	vshrl.u32 v5, $0x1  }
0x12: {  	v1 =	vand.u32 $0xFFFFFF00, v1;
	vm1 =	veq.s32 v5, $0x80000000;
	v57 =	vand.u32 $0xFFF, v56  }
0x13: {  	v1 =	vadd.s32 v3, v1;
	v5 =	vand.u32 $0x1, v5;
	v3 =	vsel vm1, $0xFFFFFFFF, v57  }
0x14: {  	v1 =	vor.u32 v6, v1;
	v5 =	vsel vm1, $0xFFFFFFFF, v5;
	v58 =	vshll.u32 v3, $0x1  }
0x15: {  	v59 =	vshll.u32 v5, $0x7;
	v5 =	vand.u32 $0xFFFFE000, v5;
	v6 =	vand.u32 $0xFFFFFF00, v58  }
0x16: {  	v1 =	vor.u32 v55, v1;
	v61 =	vand.u32 $0x80, v59;
	v60 =	vadd.s32 v5, v6  }
0x17: {  	[tilespmem:s16], [sflag:$0x1] =	stream.indirect_vreg.gather [hbm4b:s3+s10], $0x1, v0, vm0, $0x4038;
	v62 =	vand.u32 $0x7F, v3;
	v63 =	vor.u32 v61, v60;
	[tilespmem:$0x200] =	vst v63  }
0x18: {  	(ifvalue) =	ssetifvalue $0x7FFFFFFF;
	v0 =	vor.u32 v62, v63  }
0x19: {  	[tilespmem:s15], [sflag:$0x1] =	stream.indirect_vreg.gather [hbm4b:s3+s10], $0x1, v2, vm0, $0x4038;
	[tilespmem:$0x200] =	vst v63  }
0x1a: {  	s29 =	sadd.s32 $0x10, s15;
	(ifvalue) =	ssetifvalue $0x7FFFFFFF  }
0x1b: {  	[tilespmem:s29], [sflag:$0x1] =	stream.indirect_vreg.gather [hbm4b:s3+s10], $0x1, v1, vm0, $0x4038;
	[tilespmem:$0x200] =	vst v63  }
0x1c: {  	s15 =	sadd.s32 $0x10, s29;
	(ifvalue) =	ssetifvalue $0x7FFFFFFF  }
0x1d: {  	[tilespmem:s15], [sflag:$0x1] =	stream.indirect_vreg.gather [hbm4b:s3+s10], $0x1, v0, vm0, $0x4038;
	[tilespmem:$0x200] =	vst v63  }
0x1e: {  	_ =	swait.ge [sflag:s6], $0x80  }
0x1f: {  	s30 =	sshrl.u32 s13, $0x3;
	[sflag:s6] =	ssyncset.done $0x0  }
0x20: {  	s31 =	sand.u32 $0x7, s13;
	s15 =	sadd.s32 s5, s30;
	[sflag:s6] =	ssyncadd.s32 $0xFFFFFF80  }
0x21: {  	[hbm4b:s15+s31] =	stream.linear.scatter [tilespmem:s14], [sflag:$0x3], $0x80, $0x38;
	[tilespmem:$0x200] =	vst v63  }
.LBB2_5:
0x22: {  	s15 =	sadd.s32 $0x1000, s11  }
0x23: {  	p2 =	sgt.s32 s15, $0x1FFF  }
0x24: {  	s15 =	smov.u32 @p2 s2;
	p2 =	sne.s32 s12, s9  }
.Ltmp1:
0x25: {  	p1 =	slt.u32 s12, $0x2;
	(pc) =	sbr.rel @!p2 .LBB2_6-.Ltmp1, $4  }
0x26: {  	s14 =	simm.s32 @!p1 $0x3  }
0x27: {  	s16 =	sadd.s32 $0x1, s12;
	_ =	swait.ge @!p1 [sflag:s14], $0x80  }
0x28: {  	s13 =	smov.u32 s11;
	p0 =	por !p0, !p0;
	[sflag:s14] =	ssyncset.done @!p1 $0x0  }
0x29: {  	s12 =	smov.u32 s16;
	s11 =	smov.u32 s15;
	[sflag:s14] =	ssyncadd.s32 @!p1 $0xFFFFFF80  }
.LBB2_1:
0x2a: {  	p1 =	sge.u32 s12, s8  }
0x2b: {  	s14 =	sxor.u32 @!p1 $0xFFFFFFFF, s12  }
0x2c: {  	s31 =	sadd.s32 $0xFFFFFFFF, s12;
	s15 =	sshrl.u32 @!p1 s11, $0x3;
	s14 =	sshll.u32 @!p1 s14, $0x7  }
0x2d: {  	s16 =	sand.u32 @!p1 $0x7, s11;
	s15 =	sadd.s32 @!p1 s4, s15;
	s14 =	sand.u32 @!p1 $0x80, s14  }
0x2e: {  	[tilespmem:s14], [sflag:$0x2] =	stream.linear.gather @!p1 [hbm4b:s15+s16], $0x80, $0x38;
	[tilespmem:$0x200] =	vst v63  }
0x2f: {  	p1 =	sge.u32 s31, s8  }
.Ltmp2:
0x30: {  	_ = 	snop;
	(pc) =	sbr.rel @p1 .LBB2_5-.Ltmp2, $1  }
0x31: {  	_ =	sdelay $0x3  }
0x32: {  	s14 =	simm.s32 $0x1  }
0x33: {  	_ =	swait.ge [sflag:s7], $0x80;
	s14 =	simm.s32 @!p0 $0x0  }
0x34: {  	[sflag:s7] =	ssyncset.done $0x0;
	s14 =	sshll.u32 s14, $0x7  }
0x35: {  	[sflag:s7] =	ssyncadd.s32 $0xFFFFFF80;
	(ifvalue) =	ssetifvalue $0x7FFFFFFF;
	v0 =	vld.msk [tilespmem:s14+$0x0 ss:$0x1], $0xffff;
	_ =	sdelay $0x4  }
0x36: {  	s15 =	sadd.s32 $0x10, s14;
	v2 =	vshrl.u32 v0, $0x1  }
0x37: {  	v1 =	vld.msk [tilespmem:s15+$0x0 ss:$0x1], $0xffff;
	vm1 =	veq.s32 v0, $0x80000000;
	v2 =	vand.u32 $0xFFF, v2  }
0x38: {  	v0 =	vand.u32 $0x1, v0;
	v2 =	vsel vm1, $0xFFFFFFFF, v2  }
0x39: {  	v0 =	vsel vm1, $0xFFFFFFFF, v0;
	v3 =	vshll.u32 v2, $0x1  }
0x3a: {  	v4 =	vand.u32 $0xFFFFE000, v0;
	v0 =	vshll.u32 v0, $0x7;
	v3 =	vand.u32 $0xFFFFFF00, v3  }
0x3b: {  	v0 =	vand.u32 $0x80, v0;
	v3 =	vadd.s32 v4, v3  }
0x3c: {  	v2 =	vand.u32 $0x7F, v2;
	v4 =	vshrl.u32 v1, $0x1;
	v0 =	vor.u32 v0, v3  }
0x3d: {  	vm1 =	veq.s32 v1, $0x80000000;
	v4 =	vand.u32 $0xFFF, v4;
	v0 =	vor.u32 v2, v0  }
0x3e: {  	s16 =	sshll.u32 s12, $0x7;
	s15 =	sadd.s32 $0x10, s15;
	v1 =	vand.u32 $0x1, v1;
	v3 =	vsel vm1, $0xFFFFFFFF, v4  }
0x3f: {  	s17 =	sand.u32 $0x80, s16;
	v2 =	vsel vm1, $0xFFFFFFFF, v1;
	v1 =	vld.msk [tilespmem:s15+$0x0 ss:$0x1], $0xffff;
	v4 =	vshll.u32 v3, $0x1  }
0x40: {  	s16 =	sor.u32 $0x100, s14;
	s14 =	sor.u32 $0x100, s17;
	s17 =	simm.s32 $0x30;
	v5 =	vshll.u32 v2, $0x7;
	v6 =	vand.u32 $0xFFFFE000, v2;
	v4 =	vand.u32 $0xFFFFFF00, v4  }
0x41: {  	s18 =	sadd.s32 $0x10, s15;
	(ifvalue) =	ssetifvalue $0x7FFFFFFF;
	s15 =	sadd.s32 $0x10, s16;
	v2 =	vand.u32 $0x7F, v3;
	v3 =	vadd.s32 v6, v4;
	v4 =	vand.u32 $0x80, v5  }
.LBB2_3:
0x42: {  	[tilespmem:s16], [sflag:$0x1] =	stream.indirect_vreg.gather [hbm4b:s3+s10], $0x1, v0, vm0, $0x4038;
	[tilespmem:$0x200] =	vst v63  }
0x43: {  	s17 =	sadd.s32 $0x10, s17  }
0x44: {  	v5 =	vand.u32 $0x1, v1;
	v6 =	vshrl.u32 v1, $0x1;
	v3 =	vor.u32 v4, v3;
	v0 =	vmovc v1;
	v1 =	vld.msk [tilespmem:s18+$0x0 ss:$0x1], $0xffff;
	p1 =	slt.u32 s17, $0x70  }
.Ltmp3:
0x45: {  	s16 =	smov.u32 s15;
	vm1 =	veq.s32 v0, $0x80000000;
	v4 =	vand.u32 $0xFFF, v6;
	v0 =	vor.u32 v2, v3;
	(pc) =	sbr.rel @p1 .LBB2_3-.Ltmp3, $4  }
0x46: {  	v3 =	vsel vm1, $0xFFFFFFFF, v5;
	v4 =	vsel vm1, $0xFFFFFFFF, v4  }
0x47: {  	v2 =	vand.u32 $0x7F, v4;
	v4 =	vshll.u32 v4, $0x1;
	v5 =	vshll.u32 v3, $0x7  }
0x48: {  	v3 =	vand.u32 $0xFFFFE000, v3;
	v4 =	vand.u32 $0xFFFFFF00, v4  }
0x49: {  	s18 =	sadd.s32 $0x10, s18;
	s15 =	sadd.s32 $0x10, s15;
	v3 =	vadd.s32 v3, v4;
	v4 =	vand.u32 $0x80, v5;
	(ifvalue) =	ssetifvalue $0x7FFFFFFF  }
.Ltmp4:
0x4a: {  	_ = 	snop;
	(pc) =	sbr.rel .LBB2_4-.Ltmp4, $1  }
0x4b: {  	_ =	sdelay $0x3  }
.LBB2_6:
0x4c: {  	_ =	sfence.sel $0x180000  }
0x4d: {  	s2 =	simm.s32 $0x2;
	[bflag:$0x0] =	sbarrier.arrive $0xFFFF  }
0x4e: {  	s30 =	simm.s32 $0x3;
	[sflag:s2] =	ssyncpa.u1 $0x1  }
0x4f: {  	s31 =	simm.s32 $0x1;
	[sflag:s30] =	ssyncpa.u1 $0x1  }
0x50: {  	[sflag:s31] =	ssyncpa.u1 $0x1  }
0x51: {  	p0 =	sne.s32 s1, $0x0;
	_ =	strace $0x90000047  }
0x52: {  	s0 =	sadd.s32 @!p0 $0x100000, s0;
	[bflag:$0x2] =	sbarrier.arrive $0xFFFF  }
0x53: {  	[sflag:s0] =	ssyncadd.tile.s32 @!p0 $0x1;
	_ =	shalt  }
.Lfunc_end2:
_tile_overlayer_lowered:
.L_overlay_start_2:
0x54: {  	(tag) =	ssettag $0x2  }
0x55: {  	s0 =	rddreg [dreg:$0x0];
	s2 =	stileid.u32  }
0x56: {  	s1 =	rddreg [dreg:$0x1];
	p0 =	sne.s32 s2, $0x0  }
0x57: {  	s3 =	rddreg [dreg:$0x2];
	[bflag:$0x3] =	sbarrier.arrive $0xFFFF;
	s2 =	simm.s32 @!p0 $0x1C01  }
0x58: {  	[timem:s3], [sflag:s2] =	dma.local @!p0 [hbm:s0], s1  }
0x59: {  	s0 =	simm.s32 @!p0 $0x1  }
0x5a: {  	_ =	swait.ge @!p0 [sflag:s0], s1  }
0x5b: {  	s1 =	ssub.s32 @!p0 $0x0, s1;
	[sflag:s0] =	ssyncset.done @!p0 $0x0  }
0x5c: {  	[sflag:s0] =	ssyncadd.s32 @!p0 s1  }
0x5d: {  	[bflag:$0x3] =	sbarrier.arrive $0xFFFF  }
0x5e: {  	_ =	shalt  }

// kernel: gather_offload_async_start
scs
__scs_entry_jumppad:
0x0: {  	(pc) =	sbr.rel $0x88, $3  }
0x1: {  	(tag) =	ssettag $0x0;
	lr =	simm.s32 $0x1  }
0x2: {  	[smem:$0x3F9F] =	sst lr;
	_ =	strace $0xD0000000  }
0x3: {  	_ = 	snop  }
0x4: {  	_ = 	snop  }
0x5: {  	_ = 	snop  }
0x6: {  	_ = 	snop  }
0x7: {  	_ = 	snop  }
__scs_overlays_trampoline_lowered:
0x8: {  	[smem:$0x3FAE] =	sst s0  }
0x9: {  	[smem:$0x3FAF] =	sst s1  }
0xa: {  	[smem:$0x3FB0] =	sst s2  }
0xb: {  	[smem:$0x3FB1] =	sst s3  }
0xc: {  	[smem:$0x3FB2] =	sst s4  }
0xd: {  	[smem:$0x3FB3] =	sst s5  }
0xe: {  	[smem:$0x3FB4] =	sst s6  }
0xf: {  	[smem:$0x3FB5] =	sst s7  }
0x10: {  	[smem:$0x3FB6] =	sst s8  }
0x11: {  	[smem:$0x3FB7] =	sst s9;
	s0 =	simm.s32 @!p0 $0x0  }
0x12: {  	s1 =	sld [smem:$0x3F9D];
	s0 =	simm.s32 @p0 $0x1  }
0x13: {  	[smem:$0x3FB8] =	sst s0;
	s0 =	simm.s32 @!p1 $0x0  }
0x14: {  	s2 =	sld [smem:$0x3F9C];
	s0 =	simm.s32 @p1 $0x1  }
0x15: {  	[smem:$0x3FB9] =	sst s0;
	s0 =	simm.s32 @!p2 $0x0  }
0x16: {  	s3 =	sld [smem:$0x3FDB];
	s0 =	simm.s32 @p2 $0x1  }
0x17: {  	s4 =	simm.s32 $0x1BF5;
	[smem:$0x3FBB] =	sst s0  }
0x18: {  	s0 =	sld [smem:$0x3F9E];
	_ =	swait.ge [sflag:s4], $0x0  }
0x19: {  	s7 =	sld [smem:$0x3F9F]  }
0x1a: {  	s8 =	sadd.s32 $0xFFFFE003, lr  }
0x1b: {  	s9 =	sadd.s32 $0xFFFFFEF7, lr;
	s5 =	simm.s32 $0xFFFFFFFF;
	p2 =	slt.u32 s8, $0xFFFFF086  }
0x1c: {  	p1 =	slt.u32 s9, $0xF7A;
	s5 =	simm.s32 @!p2 $0x0  }
0x1d: {  	s5 =	simm.s32 @p1 $0x1;
	p0 =	seq.s32 s7, s2  }
0x1e: {  	s7 =	smul.u32 @!p0 $0xF7A, s2;
	p2 =	seq.s32 @!p0 s5, $0x0  }
0x1f: {  	s9 =	smul.u32 $0xF7A, s1;
	s8 =	simm.s32 @!p0 $0x1BF5;
	p2 =	por !p2, p0  }
0x20: {  	[sflag:s8] =	ssyncset.s32 @!p0 $0xFFFFF086;
	s6 =	sadd.s32 @!p0 s3, s7;
	s7 =	simm.s32 @!p0 $0x108  }
0x21: {  	s3 =	sadd.s32 s3, s9;
	s6 =	sadd.s32 @!p0 $0x88, s6;
	s7 =	simm.s32 @p2 $0x1082  }
0x22: {  	[simem:s7], [sflag:s8] =	dma.local @!p0 [hbm:s6], $0xF7A  }
0x23: {  	s9 =	sor.u32 $0xD0000000, s2;
	s6 =	simm.s32 $0x108;
	_ =	swait.ge @!p0 [sflag:s8], $0x0  }
0x24: {  	s3 =	sadd.s32 $0x88, s3;
	s6 =	simm.s32 @!p1 $0x1082;
	[sflag:s4] =	ssyncset.s32 $0xFFFFF086  }
0x25: {  	[simem:s6], [sflag:s4] =	dma.local [hbm:s3], $0xF7A  }
0x26: {  	[smem:$0x3F9F] =	sst s1;
	(tag) =	ssettag s2;
	_ =	strace s9  }
0x27: {  	s1 =	sld [smem:$0x3FAF]  }
0x28: {  	s2 =	sld [smem:$0x3FB0]  }
0x29: {  	s4 =	sld [smem:$0x3FB2]  }
0x2a: {  	p0 =	seq.s32 s5, $0x0;
	s5 =	sld [smem:$0x3FB3]  }
0x2b: {  	s6 =	sld [smem:$0x3FB4]  }
0x2c: {  	s7 =	sld [smem:$0x3FB5]  }
0x2d: {  	s3 =	simm.s32 $0x108;
	s8 =	sld [smem:$0x3FB6]  }
0x2e: {  	s3 =	simm.s32 @!p0 $0x1082;
	s9 =	sld [smem:$0x3FB7]  }
0x2f: {  	lr =	sadd.s32 s0, s3;
	s0 =	sld [smem:$0x3FAE]  }
0x30: {  	s3 =	sld [smem:$0x3FB1]  }
0x31: {  	[smem:$0x3FBA] =	sst s10  }
0x32: {  	s10 =	sld [smem:$0x3FB8];
	_ =	sdelay $0x3  }
0x33: {  	p0 =	seq.s32 s10, $0x1;
	s10 =	sld [smem:$0x3FBA];
	_ =	sdelay $0x3  }
0x34: {  	[smem:$0x3FBA] =	sst s10  }
0x35: {  	s10 =	sld [smem:$0x3FB9];
	_ =	sdelay $0x3  }
0x36: {  	p1 =	seq.s32 s10, $0x1;
	s10 =	sld [smem:$0x3FBA];
	_ =	sdelay $0x3  }
0x37: {  	[smem:$0x3FBA] =	sst s10  }
0x38: {  	s10 =	sld [smem:$0x3FBB]  }
0x39: {  	_ = 	snop;
	(pc) =	sbr.ind lr, $3  }
0x3a: {  	_ = 	snop  }
0x3b: {  	_ = 	snop  }
0x3c: {  	p2 =	seq.s32 s10, $0x1;
	s10 =	sld [smem:$0x3FBA]  }
0x3d: {  	_ =	shalt  }
0x3e: {  	_ =	shalt  }
0x3f: {  	_ =	shalt  }
0x40: {  	_ =	shalt  }
0x41: {  	_ =	shalt  }
0x42: {  	_ =	shalt  }
0x43: {  	_ =	shalt  }
0x44: {  	_ =	shalt  }
0x45: {  	_ =	shalt  }
0x46: {  	_ =	shalt  }
0x47: {  	_ =	shalt  }
0x48: {  	_ =	shalt  }
0x49: {  	_ =	shalt  }
0x4a: {  	_ =	shalt  }
0x4b: {  	_ =	shalt  }
0x4c: {  	_ =	shalt  }
0x4d: {  	_ =	shalt  }
0x4e: {  	_ =	shalt  }
0x4f: {  	_ =	shalt  }
0x50: {  	_ =	shalt  }
0x51: {  	_ =	shalt  }
0x52: {  	_ =	shalt  }
0x53: {  	_ =	shalt  }
0x54: {  	_ =	shalt  }
0x55: {  	_ =	shalt  }
0x56: {  	_ =	shalt  }
0x57: {  	_ =	shalt  }
0x58: {  	_ =	shalt  }
0x59: {  	_ =	shalt  }
0x5a: {  	_ =	shalt  }
0x5b: {  	_ =	shalt  }
0x5c: {  	_ =	shalt  }
0x5d: {  	_ =	shalt  }
0x5e: {  	_ =	shalt  }
0x5f: {  	_ =	shalt  }
0x60: {  	_ =	shalt  }
0x61: {  	_ =	shalt  }
0x62: {  	_ =	shalt  }
0x63: {  	_ =	shalt  }
0x64: {  	_ =	shalt  }
0x65: {  	_ =	shalt  }
0x66: {  	_ =	shalt  }
0x67: {  	_ =	shalt  }
0x68: {  	_ =	shalt  }
0x69: {  	_ =	shalt  }
0x6a: {  	_ =	shalt  }
0x6b: {  	_ =	shalt  }
0x6c: {  	_ =	shalt  }
0x6d: {  	_ =	shalt  }
0x6e: {  	_ =	shalt  }
0x6f: {  	_ =	shalt  }
0x70: {  	_ =	shalt  }
0x71: {  	_ =	shalt  }
0x72: {  	_ =	shalt  }
0x73: {  	_ =	shalt  }
0x74: {  	_ =	shalt  }
0x75: {  	_ =	shalt  }
0x76: {  	_ =	shalt  }
0x77: {  	_ =	shalt  }
0x78: {  	_ =	shalt  }
0x79: {  	_ =	shalt  }
0x7a: {  	_ =	shalt  }
0x7b: {  	_ =	shalt  }
0x7c: {  	_ =	shalt  }
0x7d: {  	_ =	shalt  }
0x7e: {  	_ =	shalt  }
0x7f: {  	_ =	shalt  }
0x80: {  	_ =	shalt  }
0x81: {  	_ =	shalt  }
0x82: {  	_ =	shalt  }
0x83: {  	_ =	shalt  }
0x84: {  	_ =	shalt  }
0x85: {  	_ =	shalt  }
0x86: {  	_ =	shalt  }
0x87: {  	_ =	shalt  }
.Lfunc_end0:
.L_simem_size_0:
called_computation_lowered:
.L_overlay_start_0:
0x88: {  	s2 =	sld [smem:$0x3FD9]  }
0x89: {  	s3 =	sld [smem:$0x3FFE];
	_ =	sdelay $0x1  }
0x8a: {  	s1 =	srdreg.scid  }
0x8b: {  	s0 =	sand.u32 $0x1, s1  }
0x8c: {  	s16 =	sshll.u32 s0, $0xA;
	s2 =	sadd.s32 s3, s2  }
0x8d: {  	s2 =	sadd.s32 s2, s16  }
0x8e: {  	[smem:$0x3FC6] =	sst s2  }
0x8f: {  	_ = 	snop  }
0x90: {  	(tm) =	ssettm $0x1  }
0x91: {  	s17 =	sld [smem:$0x3FFB];
	_ =	sdelay $0x3  }
0x92: {  	_ =	strace s17  }
0x93: {  	s2 =	sld [smem:$0x3FFC];
	_ =	sdelay $0x3  }
0x94: {  	_ =	strace s2  }
0x95: {  	s2 =	sld [smem:$0x3FFD];
	_ =	sdelay $0x3  }
0x96: {  	_ =	strace s2  }
0x97: {  	_ =	strace $0x8FFFFFFF  }
0x98: {  	s18 =	sld [smem:$0x3FDB];
	_ =	sdelay $0x1  }
0x99: {  	s19 =	simm.s32 $_scs_section_size  }
0x9a: {  	s4 =	simm.s32 $_size__tile_overlayer_lowered;
	s5 =	simm.s32 $_tile_overlayer_lowered  }
0x9b: {  	s22 =	simm.s32 $0x1BFF;
	s21 =	sshll.u32 s5, $0x1;
	s2 =	sadd.s32 s19, s18  }
0x9c: {  	s6 =	simm.s32 $0x0;
	s20 =	sshll.u32 s4, $0x1;
	s4 =	sadd.s32 s21, s2  }
0x9d: {  	[timem:s6], [sflag:s22] =	dma.local [hbm:s4], s20  }
0x9e: {  	_ =	swait.ge [sflag:s22], s20  }
0x9f: {  	s3 =	ssub.s32 $0x0, s20;
	[sflag:s22] =	ssyncset.done $0x0  }
0xa0: {  	[sflag:s22] =	ssyncadd.s32 s3;
	_ =	sdelay $0x1  }
0xa1: {  	s23 =	simm.s32 $0x1B8B  }
0xa2: {  	_ =	swait.ge [sflag:s23], $0x1  }
0xa3: {  	[sflag:s23] =	ssyncset.done $0x0  }
0xa4: {  	s25 =	simm.s32 $0x1B8E;
	s24 =	sld [smem:$0x3FFE];
	[sflag:s23] =	ssyncadd.s32 $0xFFFFFFFF  }
0xa5: {  	s26 =	simm.s32 $execute0_lowered;
	[smem:$0x3FD2] =	sst s25  }
0xa6: {  	s4 =	sshll.u32 s26, $0x1;
	_ =	strace $0x80000049;
	[dreg:$0x1] =	wrdreg $0xFFFFFFFF  }
0xa7: {  	s28 =	simm.s32 $_size_execute0_lowered;
	s2 =	sadd.s32 s2, s4;
	[dreg:$0x0] =	wrdreg $0x0  }
0xa8: {  	s4 =	sshll.u32 s28, $0x1;
	[dreg:$0x2] =	wrdreg s2  }
0xa9: {  	[dreg:$0x3] =	wrdreg s4  }
0xaa: {  	[dreg:$0x4] =	wrdreg $0xC0  }
0xab: {  	_ =	task [dreg:s6], $0x5FFFF  }
0xac: {  	[dreg:$0x1] =	wrdreg $0xFFFFFFFF  }
0xad: {  	[dreg:$0x0] =	wrdreg $0x60  }
0xae: {  	[dreg:$0x2] =	wrdreg s24  }
0xaf: {  	[dreg:$0x3] =	wrdreg $0x9  }
0xb0: {  	_ =	task.clear_ibuf [dreg:s6], $0x4FFFF;
	_ =	strace $0x90000049  }
0xb1: {  	s29 =	simm.s32 $0x9;
	_ =	strace $0x8000004B  }
0xb2: {  	_ =	swait.ge [sflag:s29], $0x1  }
0xb3: {  	[sflag:s29] =	ssyncadd.s32 $0xFFFFFFFF  }
0xb4: {  	_ =	strace $0x9000004B  }
0xb5: {  	_ =	sfence  }
0xb6: {  	s30 =	sld [smem:$0x0];
	_ =	sdelay $0x2  }
0xb7: {  	s31 =	sshll.u32 s1, $0xD;
	s1 =	sshrl.u32 s1, $0x2  }
0xb8: {  	s3 =	sand.u32 $0x4000, s31;
	s1 =	sadd.s32 s1, s30  }
0xb9: {  	s0 =	sor.u32 s3, s0;
	s1 =	sshll.u32 s1, $0x11  }
0xba: {  	s0 =	sor.u32 s1, s0  }
0xbb: {  	s0 =	sadd.s32 $0x8F2B, s0  }
0xbc: {  	[sflag:s0] =	ssyncadd.remote.s32 $0x1  }
0xbd: {  	_ =	sfence.sel $0xFFFF  }
0xbe: {  	[dreg:$0x0] =	wrdreg $0xFFFFFFFF;
	(pc) =	sbr.abs _section_cstart, $3  }
0xbf: {  	[dreg:$0x1] =	wrdreg $0xFFFFFFFF  }
0xc0: {  	_ =	task.clear_ibuf [dreg:s6], $0x2FFFF;
	_ =	strace $0x9FFFFFFF  }
0xc1: {  	(tm) =	ssettm $0x7FFFFFFF  }
tec
execute0_lowered:
.L_overlay_start_1:
0x0: {  	(tag) =	ssettag $0x1  }
0x1: {  	s1 =	srdreg.scid  }
0x2: {  	s0 =	stileid.u32;
	s2 =	rddreg [dreg:$0x0];
	s6 =	simm.s32 $0x1  }
0x3: {  	s9 =	simm.s32 $0x1;
	s10 =	simm.s32 $0x3;
	s1 =	sshll.u32 s1, $0x7  }
0x4: {  	s13 =	simm.s32 $0x0;
	s3 =	sshll.u32 s0, $0x8;
	s4 =	sand.u32 $0x80, s1  }
0x5: {  	s12 =	simm.s32 $0x0;
	s5 =	sadd.s32 $0x400, s2;
	s3 =	sor.u32 s3, s4  }
0x6: {  	s1 =	rddreg [dreg:$0x1];
	_ =	strace $0x8000004A;
	s8 =	ssub.s32 $0x2000, s3  }
.Ltmp0:
0x7: {  	s4 =	sadd.s32 $0xC00, s2;
	s7 =	sand.u32 $0xF80, s8;
	(pc) =	sbr.rel .LBB2_1-.Ltmp0, $4  }
0x8: {  	[sflag:s6] =	ssyncpa.u1 $0x0;
	s11 =	smov.u32 s3;
	p0 =	sne.s32 s7, $0x0  }
0x9: {  	s8 =	sshrl.u32 s8, $0xC;
	s7 =	simm.s32 $0x2;
	s9 =	simm.s32 @!p0 $0x0  }
0xa: {  	[sflag:s7] =	ssyncpa.u1 $0x0;
	p0 =	por $0x0, $0x0;
	s8 =	sadd.s32 s9, s8  }
0xb: {  	vm0 =	vmmov $0xffff;
	[sflag:s10] =	ssyncpa.u1 $0x0;
	s10 =	simm.s32 $0x0;
	s9 =	sadd.s32 $0x1, s8  }
.LBB2_4:
0xc: {  	v5 =	vld.msk [tilespmem:s18+$0x0 ss:$0x1], $0xffff  }
0xd: {  	v6 =	vand.u32 $0x1, v1;
	v7 =	vshrl.u32 v1, $0x1  }
0xe: {  	v3 =	vor.u32 v4, v3;
	vm1 =	veq.s32 v1, $0x80000000;
	v53 =	vand.u32 $0xFFF, v7  }
0xf: {  	v2 =	vor.u32 v2, v3;
	v54 =	vsel vm1, $0xFFFFFFFF, v6;
	v1 =	vsel vm1, $0xFFFFFFFF, v53  }
0x10: {  	v6 =	vshll.u32 v54, $0x7;
	v3 =	vand.u32 $0xFFFFE000, v54;
	v55 =	vand.u32 $0x7F, v1  }
0x11: {  	v1 =	vshll.u32 v1, $0x1;
	v6 =	vand.u32 $0x80, v6;
	v56 =	vshrl.u32 v5, $0x1  }
0x12: {  	v1 =	vand.u32 $0xFFFFFF00, v1;
	vm1 =	veq.s32 v5, $0x80000000;
	v57 =	vand.u32 $0xFFF, v56  }
0x13: {  	v1 =	vadd.s32 v3, v1;
	v5 =	vand.u32 $0x1, v5;
	v3 =	vsel vm1, $0xFFFFFFFF, v57  }
0x14: {  	v1 =	vor.u32 v6, v1;
	v5 =	vsel vm1, $0xFFFFFFFF, v5;
	v58 =	vshll.u32 v3, $0x1  }
0x15: {  	v59 =	vshll.u32 v5, $0x7;
	v5 =	vand.u32 $0xFFFFE000, v5;
	v6 =	vand.u32 $0xFFFFFF00, v58  }
0x16: {  	v1 =	vor.u32 v55, v1;
	v61 =	vand.u32 $0x80, v59;
	v60 =	vadd.s32 v5, v6  }
0x17: {  	[tilespmem:s16], [sflag:$0x1] =	stream.indirect_vreg.gather [hbm4b:s2+s10], $0x1, v0, vm0, $0x4038;
	v62 =	vand.u32 $0x7F, v3;
	v63 =	vor.u32 v61, v60;
	[tilespmem:$0x200] =	vst v63  }
0x18: {  	(ifvalue) =	ssetifvalue $0x7FFFFFFF;
	v0 =	vor.u32 v62, v63  }
0x19: {  	[tilespmem:s15], [sflag:$0x1] =	stream.indirect_vreg.gather [hbm4b:s2+s10], $0x1, v2, vm0, $0x4038;
	[tilespmem:$0x200] =	vst v63  }
0x1a: {  	s29 =	sadd.s32 $0x10, s15;
	(ifvalue) =	ssetifvalue $0x7FFFFFFF  }
0x1b: {  	[tilespmem:s29], [sflag:$0x1] =	stream.indirect_vreg.gather [hbm4b:s2+s10], $0x1, v1, vm0, $0x4038;
	[tilespmem:$0x200] =	vst v63  }
0x1c: {  	s15 =	sadd.s32 $0x10, s29;
	(ifvalue) =	ssetifvalue $0x7FFFFFFF  }
0x1d: {  	[tilespmem:s15], [sflag:$0x1] =	stream.indirect_vreg.gather [hbm4b:s2+s10], $0x1, v0, vm0, $0x4038;
	[tilespmem:$0x200] =	vst v63  }
0x1e: {  	_ =	swait.ge [sflag:s6], $0x80  }
0x1f: {  	s30 =	sshrl.u32 s13, $0x3;
	[sflag:s6] =	ssyncset.done $0x0  }
0x20: {  	s31 =	sand.u32 $0x7, s13;
	s15 =	sadd.s32 s5, s30;
	[sflag:s6] =	ssyncadd.s32 $0xFFFFFF80  }
0x21: {  	[hbm4b:s15+s31] =	stream.linear.scatter [tilespmem:s14], [sflag:$0x3], $0x80, $0x38;
	[tilespmem:$0x200] =	vst v63  }
.LBB2_5:
0x22: {  	s15 =	sadd.s32 $0x1000, s11  }
0x23: {  	p2 =	sgt.s32 s15, $0x1FFF  }
0x24: {  	s15 =	smov.u32 @p2 s3;
	p2 =	sne.s32 s12, s9  }
.Ltmp1:
0x25: {  	p1 =	slt.u32 s12, $0x2;
	(pc) =	sbr.rel @!p2 .LBB2_6-.Ltmp1, $4  }
0x26: {  	s14 =	simm.s32 @!p1 $0x3  }
0x27: {  	s16 =	sadd.s32 $0x1, s12;
	_ =	swait.ge @!p1 [sflag:s14], $0x80  }
0x28: {  	s13 =	smov.u32 s11;
	p0 =	por !p0, !p0;
	[sflag:s14] =	ssyncset.done @!p1 $0x0  }
0x29: {  	s12 =	smov.u32 s16;
	s11 =	smov.u32 s15;
	[sflag:s14] =	ssyncadd.s32 @!p1 $0xFFFFFF80  }
.LBB2_1:
0x2a: {  	p1 =	sge.u32 s12, s8  }
0x2b: {  	s14 =	sxor.u32 @!p1 $0xFFFFFFFF, s12  }
0x2c: {  	s31 =	sadd.s32 $0xFFFFFFFF, s12;
	s15 =	sshrl.u32 @!p1 s11, $0x3;
	s14 =	sshll.u32 @!p1 s14, $0x7  }
0x2d: {  	s16 =	sand.u32 @!p1 $0x7, s11;
	s15 =	sadd.s32 @!p1 s4, s15;
	s14 =	sand.u32 @!p1 $0x80, s14  }
0x2e: {  	[tilespmem:s14], [sflag:$0x2] =	stream.linear.gather @!p1 [hbm4b:s15+s16], $0x80, $0x38;
	[tilespmem:$0x200] =	vst v63  }
0x2f: {  	p1 =	sge.u32 s31, s8  }
.Ltmp2:
0x30: {  	_ = 	snop;
	(pc) =	sbr.rel @p1 .LBB2_5-.Ltmp2, $1  }
0x31: {  	_ =	sdelay $0x3  }
0x32: {  	s14 =	simm.s32 $0x1  }
0x33: {  	_ =	swait.ge [sflag:s7], $0x80;
	s14 =	simm.s32 @!p0 $0x0  }
0x34: {  	[sflag:s7] =	ssyncset.done $0x0;
	s14 =	sshll.u32 s14, $0x7  }
0x35: {  	[sflag:s7] =	ssyncadd.s32 $0xFFFFFF80;
	(ifvalue) =	ssetifvalue $0x7FFFFFFF;
	v0 =	vld.msk [tilespmem:s14+$0x0 ss:$0x1], $0xffff;
	_ =	sdelay $0x4  }
0x36: {  	s15 =	sadd.s32 $0x10, s14;
	v2 =	vshrl.u32 v0, $0x1  }
0x37: {  	v1 =	vld.msk [tilespmem:s15+$0x0 ss:$0x1], $0xffff;
	vm1 =	veq.s32 v0, $0x80000000;
	v2 =	vand.u32 $0xFFF, v2  }
0x38: {  	v0 =	vand.u32 $0x1, v0;
	v2 =	vsel vm1, $0xFFFFFFFF, v2  }
0x39: {  	v0 =	vsel vm1, $0xFFFFFFFF, v0;
	v3 =	vshll.u32 v2, $0x1  }
0x3a: {  	v4 =	vand.u32 $0xFFFFE000, v0;
	v0 =	vshll.u32 v0, $0x7;
	v3 =	vand.u32 $0xFFFFFF00, v3  }
0x3b: {  	v0 =	vand.u32 $0x80, v0;
	v3 =	vadd.s32 v4, v3  }
0x3c: {  	v2 =	vand.u32 $0x7F, v2;
	v4 =	vshrl.u32 v1, $0x1;
	v0 =	vor.u32 v0, v3  }
0x3d: {  	vm1 =	veq.s32 v1, $0x80000000;
	v4 =	vand.u32 $0xFFF, v4;
	v0 =	vor.u32 v2, v0  }
0x3e: {  	s16 =	sshll.u32 s12, $0x7;
	s15 =	sadd.s32 $0x10, s15;
	v1 =	vand.u32 $0x1, v1;
	v3 =	vsel vm1, $0xFFFFFFFF, v4  }
0x3f: {  	s17 =	sand.u32 $0x80, s16;
	v2 =	vsel vm1, $0xFFFFFFFF, v1;
	v1 =	vld.msk [tilespmem:s15+$0x0 ss:$0x1], $0xffff;
	v4 =	vshll.u32 v3, $0x1  }
0x40: {  	s16 =	sor.u32 $0x100, s14;
	s14 =	sor.u32 $0x100, s17;
	s17 =	simm.s32 $0x30;
	v5 =	vshll.u32 v2, $0x7;
	v6 =	vand.u32 $0xFFFFE000, v2;
	v4 =	vand.u32 $0xFFFFFF00, v4  }
0x41: {  	s18 =	sadd.s32 $0x10, s15;
	(ifvalue) =	ssetifvalue $0x7FFFFFFF;
	s15 =	sadd.s32 $0x10, s16;
	v2 =	vand.u32 $0x7F, v3;
	v3 =	vadd.s32 v6, v4;
	v4 =	vand.u32 $0x80, v5  }
.LBB2_3:
0x42: {  	[tilespmem:s16], [sflag:$0x1] =	stream.indirect_vreg.gather [hbm4b:s2+s10], $0x1, v0, vm0, $0x4038;
	[tilespmem:$0x200] =	vst v63  }
0x43: {  	s17 =	sadd.s32 $0x10, s17  }
0x44: {  	v5 =	vand.u32 $0x1, v1;
	v6 =	vshrl.u32 v1, $0x1;
	v3 =	vor.u32 v4, v3;
	v0 =	vmovc v1;
	v1 =	vld.msk [tilespmem:s18+$0x0 ss:$0x1], $0xffff;
	p1 =	slt.u32 s17, $0x70  }
.Ltmp3:
0x45: {  	s16 =	smov.u32 s15;
	vm1 =	veq.s32 v0, $0x80000000;
	v4 =	vand.u32 $0xFFF, v6;
	v0 =	vor.u32 v2, v3;
	(pc) =	sbr.rel @p1 .LBB2_3-.Ltmp3, $4  }
0x46: {  	v3 =	vsel vm1, $0xFFFFFFFF, v5;
	v4 =	vsel vm1, $0xFFFFFFFF, v4  }
0x47: {  	v2 =	vand.u32 $0x7F, v4;
	v4 =	vshll.u32 v4, $0x1;
	v5 =	vshll.u32 v3, $0x7  }
0x48: {  	v3 =	vand.u32 $0xFFFFE000, v3;
	v4 =	vand.u32 $0xFFFFFF00, v4  }
0x49: {  	s18 =	sadd.s32 $0x10, s18;
	s15 =	sadd.s32 $0x10, s15;
	v3 =	vadd.s32 v3, v4;
	v4 =	vand.u32 $0x80, v5;
	(ifvalue) =	ssetifvalue $0x7FFFFFFF  }
.Ltmp4:
0x4a: {  	_ = 	snop;
	(pc) =	sbr.rel .LBB2_4-.Ltmp4, $1  }
0x4b: {  	_ =	sdelay $0x3  }
.LBB2_6:
0x4c: {  	_ =	sfence.sel $0x180000  }
0x4d: {  	s2 =	simm.s32 $0x2;
	[bflag:$0x0] =	sbarrier.arrive $0xFFFF  }
0x4e: {  	s30 =	simm.s32 $0x3;
	[sflag:s2] =	ssyncpa.u1 $0x1  }
0x4f: {  	s31 =	simm.s32 $0x1;
	[sflag:s30] =	ssyncpa.u1 $0x1  }
0x50: {  	[sflag:s31] =	ssyncpa.u1 $0x1  }
0x51: {  	p0 =	sne.s32 s0, $0x0;
	_ =	strace $0x9000004A  }
0x52: {  	s0 =	sadd.s32 @!p0 $0x100000, s1;
	[bflag:$0x2] =	sbarrier.arrive $0xFFFF  }
0x53: {  	[sflag:s0] =	ssyncadd.tile.s32 @!p0 $0x1;
	_ =	shalt  }
.Lfunc_end2:
_tile_overlayer_lowered:
.L_overlay_start_2:
0x54: {  	(tag) =	ssettag $0x2  }
0x55: {  	s0 =	rddreg [dreg:$0x0];
	s2 =	stileid.u32  }
0x56: {  	s1 =	rddreg [dreg:$0x1];
	p0 =	sne.s32 s2, $0x0  }
0x57: {  	s3 =	rddreg [dreg:$0x2];
	[bflag:$0x3] =	sbarrier.arrive $0xFFFF;
	s2 =	simm.s32 @!p0 $0x1C01  }
0x58: {  	[timem:s3], [sflag:s2] =	dma.local @!p0 [hbm:s0], s1  }
0x59: {  	s0 =	simm.s32 @!p0 $0x1  }
0x5a: {  	_ =	swait.ge @!p0 [sflag:s0], s1  }
0x5b: {  	s1 =	ssub.s32 @!p0 $0x0, s1;
	[sflag:s0] =	ssyncset.done @!p0 $0x0  }
0x5c: {  	[sflag:s0] =	ssyncadd.s32 @!p0 s1  }
0x5d: {  	[bflag:$0x3] =	sbarrier.arrive $0xFFFF  }
0x5e: {  	_ =	shalt  }

</sc_bundles>
